<compile_context>
chip_gen: v7x
topology: tpu7x:2x2x1
jax: 0.10.2.dev20260603
libtpu: 0.0.44.dev20260713+nightly
codegen_flags: <defaults>
</compile_context>

<pallas_src>
import jax
import jax.numpy as jnp
from jax import lax
from jax.experimental import pallas as pl

B, C, H, W = 4, 384, 64, 64
A = 9
K = 300
CK = 9 * C
CX = 3 * C
ROWS = (H + 2) * W
HB = 16
MB = HB * W
NSEL = 36864
AP = 128


def _conv_body(x_ref, wc_ref, bpre_ref, wproj_ref, bproj_ref, out_ref):
    y0 = pl.program_id(1) * HB
    xs = jnp.concatenate(
        [x_ref[0, pl.ds(pl.multiple_of((y0 + ky) * W, 64), MB), :]
         for ky in range(3)], axis=1)
    acc = jnp.dot(xs, wc_ref[...], preferred_element_type=jnp.float32)
    hid = jnp.maximum(acc + bpre_ref[0][None, :], 0.0).astype(jnp.bfloat16)
    logits = jnp.dot(hid, wproj_ref[...], preferred_element_type=jnp.float32)
    out_ref[0] = logits + bproj_ref[0][None, :]


def _topk_body(p_ref, out_ref):
    b = pl.program_id(0)
    NR = NSEL // 128
    v = jax.nn.sigmoid(p_ref[0])
    bits = lax.bitcast_convert_type(v, jnp.int32)
    riota = lax.broadcasted_iota(jnp.int32, (NR, 128), 0)
    fi = riota * 128 + lax.broadcasted_iota(jnp.int32, (NR, 128), 1)
    big = jnp.int32(1 << 30)

    def search(i, t):
        t2 = t | (jnp.int32(1) << (29 - i))
        cnt = jnp.sum((bits >= t2).astype(jnp.int32))
        return jnp.where(cnt >= K, t2, t)

    t = lax.fori_loop(0, 16, search, jnp.int32(0))

    mask = bits >= t
    vrows, irows = [], []
    for _ in range(16):
        rmin = jnp.min(jnp.where(mask, riota, big), axis=0)
        hit = riota == rmin[None, :]
        ok = rmin < big
        vrows.append(jnp.where(ok, jnp.sum(jnp.where(hit, v, 0.0), axis=0),
                               -1.0)[None, :])
        irows.append(jnp.where(ok, jnp.sum(jnp.where(hit & mask, fi, 0), axis=0),
                               big)[None, :])
        mask = mask & jnp.logical_not(hit)
    cval = jnp.concatenate(vrows, axis=0)
    cidx = jnp.concatenate(irows, axis=0)

    slot = lax.broadcasted_iota(jnp.int32, (1, 512), 1)

    def body(r, carry):
        cval, out = carry
        m = jnp.max(cval)
        idx = jnp.min(jnp.where(cval == m, cidx, big))
        out = jnp.where(slot == r, idx, out)
        cval = jnp.where(cidx == idx, jnp.float32(-1.0), cval)
        return (cval, out)

    _, out = lax.fori_loop(0, K, body, (cval, jnp.zeros((1, 512), jnp.int32)))
    out_ref[0] = out + b * NSEL


def kernel(feat_map, W_pre, b_pre, W_proj, b_proj):
    xt = jnp.transpose(feat_map, (0, 2, 3, 1))
    xp = jnp.pad(xt, ((0, 0), (1, 1), (1, 1), (0, 0)))
    xcol = jnp.stack([xp[:, :, kx:kx + W, :] for kx in range(3)], axis=3)
    xcol = xcol.reshape(B, ROWS, CX).astype(jnp.bfloat16)
    wc = jnp.transpose(W_pre, (2, 3, 1, 0)).reshape(CK, C).astype(jnp.bfloat16)
    bpre = b_pre.reshape(1, C)
    wproj = jnp.pad(jnp.transpose(W_proj.reshape(A, C)),
                    ((0, 0), (0, AP - A))).astype(jnp.bfloat16)
    bproj = jnp.pad(b_proj.reshape(1, A), ((0, 0), (0, AP - A)))

    logits_pad = pl.pallas_call(
        _conv_body,
        grid=(B, H // HB),
        in_specs=[
            pl.BlockSpec((1, ROWS, CX), lambda b, h: (b, 0, 0)),
            pl.BlockSpec((CK, C), lambda b, h: (0, 0)),
            pl.BlockSpec((1, C), lambda b, h: (0, 0)),
            pl.BlockSpec((C, AP), lambda b, h: (0, 0)),
            pl.BlockSpec((1, AP), lambda b, h: (0, 0)),
        ],
        out_specs=pl.BlockSpec((1, MB, AP), lambda b, h: (b, h, 0)),
        out_shape=jax.ShapeDtypeStruct((B, H * W, AP), jnp.float32),
    )(xcol, wc, bpre, wproj, bproj)

    sel_logits = logits_pad[:, :, :A].reshape(B, NSEL)

    ids_pad = pl.pallas_call(
        _topk_body,
        grid=(B,),
        in_specs=[pl.BlockSpec((1, NSEL // 128, 128), lambda b: (b, 0, 0))],
        out_specs=pl.BlockSpec((1, 1, 512), lambda b: (b, 0, 0)),
        out_shape=jax.ShapeDtypeStruct((B, 1, 512), jnp.int32),
    )(sel_logits.reshape(B, NSEL // 128, 128))

    sel_ids = ids_pad[:, 0, :K].reshape(-1)
    return sel_logits, sel_ids

# --- scband reference (transcript-rebuilt; emitter-appended) ---
"""Pipeline reference for scband-anchor-selector-43035572306476 (READ-ONLY COPY).

The authoritative reference and input builder live on the scoring server;
editing this copy changes nothing except your own understanding.
"""

import jax, jax.numpy as jnp
import numpy as np
import math

B, C, H, W = 4, 384, 64, 64
A = 9  # num_cell_anchors
REL_THR = 300
INIT_PROB = 0.01


def setup_inputs(seed: int = 0) -> dict:
    key = jax.random.key(seed)
    k1, k2, k3 = jax.random.split(key, 3)
    feat_map = jax.random.normal(k1, (B, C, H, W), dtype=jnp.float32)
    # pre-logits: 3x3 conv C->C (compute-heavy), proj: 1x1 conv C->A
    W_pre = jax.random.normal(k2, (C, C, 3, 3), dtype=jnp.float32) * np.float32(1.0 / np.sqrt(C * 9))
    b_pre = jnp.zeros((C,), dtype=jnp.float32)
    W_proj = jax.random.normal(k3, (A, C, 1, 1), dtype=jnp.float32) * np.float32(1.0 / np.sqrt(C))
    init_bias = -math.log((1.0 - INIT_PROB) / INIT_PROB)
    b_proj = jnp.full((A,), init_bias, dtype=jnp.float32)
    return {"feat_map": feat_map, "W_pre": W_pre, "b_pre": b_pre, "W_proj": W_proj, "b_proj": b_proj}


def reference(feat_map, W_pre, b_pre, W_proj, b_proj):
    dn = ("NCHW", "OIHW", "NCHW")
    # pre-logits conv + relu
    x = jax.lax.conv_general_dilated(feat_map, W_pre, window_strides=(1, 1), padding="SAME", dimension_numbers=dn)
    x = jax.nn.relu(x + b_pre[None, :, None, None])
    # projection to per-cell-anchor logits
    logit_map = jax.lax.conv_general_dilated(x, W_proj, window_strides=(1, 1), padding="SAME", dimension_numbers=dn)
    logit_map = logit_map + b_proj[None, :, None, None]
    # permute(0,2,3,1).flatten(1) as in torch code
    sel_logits = jnp.transpose(logit_map, (0, 2, 3, 1)).reshape(B, -1)
    num_anchors = sel_logits.shape[1]
    # selection probabilities on detached logits
    sel_probs = jax.nn.sigmoid(jax.lax.stop_gradient(sel_logits))
    # 'rel' selection mode: per-image top-k anchors
    _, rel_ids = jax.lax.top_k(sel_probs, REL_THR)
    sel_ids = rel_ids + num_anchors * jnp.arange(B, dtype=rel_ids.dtype)[:, None]
    sel_ids = sel_ids.reshape(-1)
    return sel_logits, sel_ids

if __name__ == "__main__":
    import jax
    _d = setup_inputs()
    print(jax.jit(kernel)(*tuple(_d.values())))

</pallas_src>

<mosaic_0001>
module attributes {stable_mosaic.version = 14 : i64} {
  func.func @_conv_body(%arg0: i32, %arg1: i32, %arg2: memref<1x4224x1152xbf16, #tpu.memory_space<vmem>>, %arg3: memref<3456x384xbf16, #tpu.memory_space<vmem>>, %arg4: memref<1x384xf32, #tpu.memory_space<vmem>>, %arg5: memref<384x128xbf16, #tpu.memory_space<vmem>>, %arg6: memref<1x128xf32, #tpu.memory_space<vmem>>, %arg7: memref<1x1024x128xf32, #tpu.memory_space<vmem>>) attributes {dimension_semantics = [#tpu.dimension_semantics<arbitrary>, #tpu.dimension_semantics<arbitrary>], iteration_bounds = array<i64: 4, 4>, scalar_prefetch = 0 : i64, scratch_operands = 0 : i64, tpu.core_type = #tpu.core_type<tc>, window_params = [{transform_indices = @transform_0, window_bounds = array<i64: 1, 4224, 1152>}, {pipeline_mode = #tpu.pipeline_mode<synchronous>, transform_indices = @transform_1, window_bounds = array<i64: 3456, 384>}, {pipeline_mode = #tpu.pipeline_mode<synchronous>, transform_indices = @transform_2, window_bounds = array<i64: 1, 384>}, {pipeline_mode = #tpu.pipeline_mode<synchronous>, transform_indices = @transform_3, window_bounds = array<i64: 384, 128>}, {pipeline_mode = #tpu.pipeline_mode<synchronous>, transform_indices = @transform_4, window_bounds = array<i64: 1, 128>}, {transform_indices = @transform_5, window_bounds = array<i64: 1, 1024, 128>}]} {
    %mul3A = arith.constant 16 : i32
    %mul3A_0 = arith.muli %arg1, %mul3A : i32
    %add3A = arith.constant 0 : i32
    %add3A_1 = arith.addi %mul3A_0, %add3A : i32
    %mul3A_2 = arith.constant 64 : i32
    %mul3A_3 = arith.muli %add3A_1, %mul3A_2 : i32
    %multiple_of3A = tpu.assume_multiple %mul3A_3, 64 : i32
    %get3A = arith.constant 0 : index
    %get3A_4 = arith.index_cast %multiple_of3A : i32 to index
    %get3A_5 = arith.constant 0 : index
    %get3A_6 = vector.load %arg2[%get3A, %get3A_4, %get3A_5] : memref<1x4224x1152xbf16, #tpu.memory_space<vmem>>, vector<1x1024x1152xbf16>
    %get3A_7 = vector.shape_cast %get3A_6 : vector<1x1024x1152xbf16> to vector<1024x1152xbf16>
    %add3A_8 = arith.constant 1 : i32
    %add3A_9 = arith.addi %mul3A_0, %add3A_8 : i32
    %mul3A_10 = arith.constant 64 : i32
    %mul3A_11 = arith.muli %add3A_9, %mul3A_10 : i32
    %multiple_of3A_12 = tpu.assume_multiple %mul3A_11, 64 : i32
    %get3A_13 = arith.constant 0 : index
    %get3A_14 = arith.index_cast %multiple_of3A_12 : i32 to index
    %get3A_15 = arith.constant 0 : index
    %get3A_16 = vector.load %arg2[%get3A_13, %get3A_14, %get3A_15] : memref<1x4224x1152xbf16, #tpu.memory_space<vmem>>, vector<1x1024x1152xbf16>
    %get3A_17 = vector.shape_cast %get3A_16 : vector<1x1024x1152xbf16> to vector<1024x1152xbf16>
    %add3A_18 = arith.constant 2 : i32
    %add3A_19 = arith.addi %mul3A_0, %add3A_18 : i32
    %mul3A_20 = arith.constant 64 : i32
    %mul3A_21 = arith.muli %add3A_19, %mul3A_20 : i32
    %multiple_of3A_22 = tpu.assume_multiple %mul3A_21, 64 : i32
    %get3A_23 = arith.constant 0 : index
    %get3A_24 = arith.index_cast %multiple_of3A_22 : i32 to index
    %get3A_25 = arith.constant 0 : index
    %get3A_26 = vector.load %arg2[%get3A_23, %get3A_24, %get3A_25] : memref<1x4224x1152xbf16, #tpu.memory_space<vmem>>, vector<1x1024x1152xbf16>
    %get3A_27 = vector.shape_cast %get3A_26 : vector<1x1024x1152xbf16> to vector<1024x1152xbf16>
    %concatenate3A = tpu.concatenate %get3A_7, %get3A_17, %get3A_27 in 1 : vector<1024x1152xbf16>, vector<1024x1152xbf16>, vector<1024x1152xbf16> -> vector<1024x3456xbf16>
    %get3A_28 = arith.constant 0 : index
    %get3A_29 = arith.constant 0 : index
    %get3A_30 = vector.load %arg3[%get3A_28, %get3A_29] : memref<3456x384xbf16, #tpu.memory_space<vmem>>, vector<3456x384xbf16>
    %dot_general3A = arith.constant dense<0.000000e+00> : vector<1024x384xf32>
    %dot_general3A_31 = tpu.matmul %concatenate3A, %get3A_30, %dot_general3A {dimension_numbers = #tpu.dot_dimension_numbers<[1], [0], [0], [1], [0, 0, 1, 1], [], []>, transpose_lhs_hint = false} : vector<1024x3456xbf16>, vector<3456x384xbf16>, vector<1024x384xf32> -> vector<1024x384xf32>
    %get3A_32 = arith.constant 0 : index
    %get3A_33 = arith.constant 0 : index
    %get3A_34 = vector.load %arg4[%get3A_32, %get3A_33] : memref<1x384xf32, #tpu.memory_space<vmem>>, vector<1x384xf32>
    %get3A_35 = vector.shape_cast %get3A_34 : vector<1x384xf32> to vector<384xf32>
    %broadcast_in_dim3A = vector.shape_cast %get3A_35 : vector<384xf32> to vector<1x384xf32>
    %add3A_36 = vector.broadcast %broadcast_in_dim3A : vector<1x384xf32> to vector<1024x384xf32>
    %add3A_37 = arith.addf %dot_general3A_31, %add3A_36 : vector<1024x384xf32>
    %max3A = arith.constant 0.000000e+00 : f32
    %max3A_38 = vector.broadcast %max3A : f32 to vector<1024x384xf32>
    %max3A_39 = arith.maximumf %add3A_37, %max3A_38 : vector<1024x384xf32>
    %convert_element_type3A = arith.truncf %max3A_39 : vector<1024x384xf32> to vector<1024x384xbf16>
    %get3A_40 = arith.constant 0 : index
    %get3A_41 = arith.constant 0 : index
    %get3A_42 = vector.load %arg5[%get3A_40, %get3A_41] : memref<384x128xbf16, #tpu.memory_space<vmem>>, vector<384x128xbf16>
    %dot_general3A_43 = arith.constant dense<0.000000e+00> : vector<1024x128xf32>
    %dot_general3A_44 = tpu.matmul %convert_element_type3A, %get3A_42, %dot_general3A_43 {dimension_numbers = #tpu.dot_dimension_numbers<[1], [0], [0], [1], [0, 0, 1, 1], [], []>, transpose_lhs_hint = false} : vector<1024x384xbf16>, vector<384x128xbf16>, vector<1024x128xf32> -> vector<1024x128xf32>
    %get3A_45 = arith.constant 0 : index
    %get3A_46 = arith.constant 0 : index
    %get3A_47 = vector.load %arg6[%get3A_45, %get3A_46] : memref<1x128xf32, #tpu.memory_space<vmem>>, vector<1x128xf32>
    %get3A_48 = vector.shape_cast %get3A_47 : vector<1x128xf32> to vector<128xf32>
    %broadcast_in_dim3A_49 = vector.shape_cast %get3A_48 : vector<128xf32> to vector<1x128xf32>
    %add3A_50 = vector.broadcast %broadcast_in_dim3A_49 : vector<1x128xf32> to vector<1024x128xf32>
    %add3A_51 = arith.addf %dot_general3A_44, %add3A_50 : vector<1024x128xf32>
    %swap3A = arith.constant 0 : index
    %swap3A_52 = arith.constant 0 : index
    %swap3A_53 = arith.constant 0 : index
    %swap3A_54 = vector.load %arg7[%swap3A, %swap3A_52, %swap3A_53] : memref<1x1024x128xf32, #tpu.memory_space<vmem>>, vector<1x1024x128xf32>
    %swap3A_55 = vector.shape_cast %swap3A_54 : vector<1x1024x128xf32> to vector<1024x128xf32>
    %swap3A_56 = vector.shape_cast %add3A_51 : vector<1024x128xf32> to vector<1x1024x128xf32>
    tpu.vector_store %arg7[%swap3A, %swap3A_52, %swap3A_53], %swap3A_56 {strides = array<i32>} : memref<1x1024x128xf32, #tpu.memory_space<vmem>>, vector<1x1024x128xf32>,
    return
  }
  func.func @transform_0(%arg0: i32, %arg1: i32) -> (i32, i32, i32) {
    %c0_i32 = arith.constant 0 : i32
    %c0_i32_0 = arith.constant 0 : i32
    %c0_i32_1 = arith.constant 0 : i32
    return %arg0, %c0_i32, %c0_i32_0 : i32, i32, i32
  }
  func.func @transform_1(%arg0: i32, %arg1: i32) -> (i32, i32) {
    %c0_i32 = arith.constant 0 : i32
    %c0_i32_0 = arith.constant 0 : i32
    %c0_i32_1 = arith.constant 0 : i32
    return %c0_i32, %c0_i32_0 : i32, i32
  }
  func.func @transform_2(%arg0: i32, %arg1: i32) -> (i32, i32) {
    %c0_i32 = arith.constant 0 : i32
    %c0_i32_0 = arith.constant 0 : i32
    %c0_i32_1 = arith.constant 0 : i32
    return %c0_i32, %c0_i32_0 : i32, i32
  }
  func.func @transform_3(%arg0: i32, %arg1: i32) -> (i32, i32) {
    %c0_i32 = arith.constant 0 : i32
    %c0_i32_0 = arith.constant 0 : i32
    %c0_i32_1 = arith.constant 0 : i32
    return %c0_i32, %c0_i32_0 : i32, i32
  }
  func.func @transform_4(%arg0: i32, %arg1: i32) -> (i32, i32) {
    %c0_i32 = arith.constant 0 : i32
    %c0_i32_0 = arith.constant 0 : i32
    %c0_i32_1 = arith.constant 0 : i32
    return %c0_i32, %c0_i32_0 : i32, i32
  }
  func.func @transform_5(%arg0: i32, %arg1: i32) -> (i32, i32, i32) {
    %c0_i32 = arith.constant 0 : i32
    %c0_i32_0 = arith.constant 0 : i32
    return %arg0, %arg1, %c0_i32 : i32, i32, i32
  }
}

module attributes {stable_mosaic.version = 14 : i64} {
  func.func @_topk_body(%arg0: i32, %arg1: memref<1x288x128xf32, #tpu.memory_space<vmem>>, %arg2: memref<1x1x512xi32, #tpu.memory_space<vmem>>) attributes {dimension_semantics = [#tpu.dimension_semantics<arbitrary>], iteration_bounds = array<i64: 4>, scalar_prefetch = 0 : i64, scratch_operands = 0 : i64, tpu.core_type = #tpu.core_type<tc>, window_params = [{transform_indices = @transform_0, window_bounds = array<i64: 1, 288, 128>}, {transform_indices = @transform_1, window_bounds = array<i64: 1, 1, 512>}]} {
    %get3A = arith.constant 0 : index
    %get3A_0 = arith.constant 0 : index
    %get3A_1 = arith.constant 0 : index
    %get3A_2 = vector.load %arg1[%get3A, %get3A_0, %get3A_1] : memref<1x288x128xf32, #tpu.memory_space<vmem>>, vector<1x288x128xf32>
    %get3A_3 = vector.shape_cast %get3A_2 : vector<1x288x128xf32> to vector<288x128xf32>
    %logistic3A = arith.negf %get3A_3 : vector<288x128xf32>
    %logistic3A_4 = math.exp %logistic3A : vector<288x128xf32>
    %logistic3A_5 = arith.constant 1.000000e+00 : f32
    %logistic3A_6 = vector.broadcast %logistic3A_5 : f32 to vector<288x128xf32>
    %logistic3A_7 = arith.addf %logistic3A_6, %logistic3A_4 : vector<288x128xf32>
    %logistic3A_8 = arith.divf %logistic3A_6, %logistic3A_7 : vector<288x128xf32>
    %bitcast_convert_type3A = tpu.bitcast %logistic3A_8 : vector<288x128xf32> -> vector<288x128xi32>
    %iota3A = tpu.iota {dimensions = array<i32: 0>} : vector<288x128xi32>
    %mul3A = arith.constant 128 : i32
    %mul3A_9 = vector.broadcast %mul3A : i32 to vector<288x128xi32>
    %mul3A_10 = arith.muli %iota3A, %mul3A_9 : vector<288x128xi32>
    %iota3A_11 = tpu.iota {dimensions = array<i32: 1>} : vector<288x128xi32>
    %add3A = arith.addi %mul3A_10, %iota3A_11 : vector<288x128xi32>
    %scan3A = arith.constant 0 : i32
    %scan3A_12 = arith.constant 0 : i32
    %scan3A_13 = arith.constant 16 : i32
    %scan3A_14 = arith.addi %scan3A_12, %scan3A_13 : i32
    %scan3A_15 = arith.constant 1 : i32
    %scan3A_16 = scf.for %scan3A_555 = %scan3A_12 to %scan3A_14 step %scan3A_15 iter_args(%scan3A_556 = %scan3A) -> (i32)  : i32 {
      %sub3A = arith.constant 29 : i32
      %sub3A_557 = arith.subi %sub3A, %scan3A_555 : i32
      %shift_left3A = arith.constant 1 : i32
      %shift_left3A_558 = arith.shli %shift_left3A, %sub3A_557 : i32
      %or3A = arith.ori %scan3A_556, %shift_left3A_558 : i32
      %ge3A_559 = vector.broadcast %or3A : i32 to vector<288x128xi32>
      %ge3A_560 = arith.cmpi sge, %bitcast_convert_type3A, %ge3A_559 : vector<288x128xi32>
      %convert_element_type3A = arith.extui %ge3A_560 : vector<288x128xi1> to vector<288x128xi32>
      %reduce_sum3A_561 = vector.shape_cast %convert_element_type3A : vector<288x128xi32> to vector<1x288x128xi32>
      %reduce_sum3A_562 = arith.constant dense<0> : vector<1xi32>
      %reduce_sum3A_563 = vector.multi_reduction <add>, %reduce_sum3A_561, %reduce_sum3A_562 [1, 2] : vector<1x288x128xi32> to vector<1xi32>
      %reduce_sum3A_564 = vector.shape_cast %reduce_sum3A_563 : vector<1xi32> to vector<1x1x1xi32>
      %reduce_sum3A_565 = vector.extract %reduce_sum3A_564[0, 0, 0] : i32 from vector<1x1x1xi32>
      %ge3A_566 = arith.constant 300 : i32
      %ge3A_567 = arith.cmpi sge, %reduce_sum3A_565, %ge3A_566 : i32
      %select_n3A_568 = arith.select %ge3A_567, %or3A, %scan3A_556 : i32
      scf.yield %select_n3A_568 : i32
    }
    %scan3A_17 = arith.constant 16 : i32
    %ge3A = vector.broadcast %scan3A_16 : i32 to vector<288x128xi32>
    %ge3A_18 = arith.cmpi sge, %bitcast_convert_type3A, %ge3A : vector<288x128xi32>
    %jit3A = arith.constant 1073741824 : i32
    %broadcast_in_dim3A = vector.broadcast %jit3A : i32 to vector<288x128xi32>
    %select_n3A = arith.select %ge3A_18, %iota3A, %broadcast_in_dim3A : vector<288x128xi1>, vector<288x128xi32>
    %reduce_min3A = arith.constant dense<2147483647> : vector<128xi32>
    %reduce_min3A_19 = vector.multi_reduction <minsi>, %select_n3A, %reduce_min3A [0] : vector<288x128xi32> to vector<128xi32>
    %broadcast_in_dim3A_20 = vector.shape_cast %reduce_min3A_19 : vector<128xi32> to vector<1x128xi32>
    %eq3A = vector.broadcast %broadcast_in_dim3A_20 : vector<1x128xi32> to vector<288x128xi32>
    %eq3A_21 = arith.cmpi eq, %iota3A, %eq3A : vector<288x128xi32>
    %lt3A = arith.constant 1073741824 : i32
    %lt3A_22 = vector.broadcast %lt3A : i32 to vector<128xi32>
    %lt3A_23 = arith.cmpi slt, %reduce_min3A_19, %lt3A_22 : vector<128xi32>
    %jit3A_24 = arith.constant 0.000000e+00 : f32
    %broadcast_in_dim3A_25 = vector.broadcast %jit3A_24 : f32 to vector<288x128xf32>
    %select_n3A_26 = arith.select %eq3A_21, %logistic3A_8, %broadcast_in_dim3A_25 : vector<288x128xi1>, vector<288x128xf32>
    %reduce_sum3A = arith.constant dense<0.000000e+00> : vector<128xf32>
    %reduce_sum3A_27 = vector.multi_reduction <add>, %select_n3A_26, %reduce_sum3A [0] : vector<288x128xf32> to vector<128xf32>
    %jit3A_28 = arith.constant -1.000000e+00 : f32
    %broadcast_in_dim3A_29 = vector.broadcast %jit3A_28 : f32 to vector<128xf32>
    %select_n3A_30 = arith.select %lt3A_23, %reduce_sum3A_27, %broadcast_in_dim3A_29 : vector<128xi1>, vector<128xf32>
    %broadcast_in_dim3A_31 = vector.shape_cast %select_n3A_30 : vector<128xf32> to vector<1x128xf32>
    %and3A = arith.andi %eq3A_21, %ge3A_18 : vector<288x128xi1>
    %jit3A_32 = arith.constant 0 : i32
    %broadcast_in_dim3A_33 = vector.broadcast %jit3A_32 : i32 to vector<288x128xi32>
    %select_n3A_34 = arith.select %and3A, %add3A, %broadcast_in_dim3A_33 : vector<288x128xi1>, vector<288x128xi32>
    %reduce_sum3A_35 = arith.constant dense<0> : vector<128xi32>
    %reduce_sum3A_36 = vector.multi_reduction <add>, %select_n3A_34, %reduce_sum3A_35 [0] : vector<288x128xi32> to vector<128xi32>
    %jit3A_37 = arith.constant 1073741824 : i32
    %broadcast_in_dim3A_38 = vector.broadcast %jit3A_37 : i32 to vector<128xi32>
    %select_n3A_39 = arith.select %lt3A_23, %reduce_sum3A_36, %broadcast_in_dim3A_38 : vector<128xi1>, vector<128xi32>
    %broadcast_in_dim3A_40 = vector.shape_cast %select_n3A_39 : vector<128xi32> to vector<1x128xi32>
    %not3A = arith.constant dense<true> : vector<288x128xi1>
    %not3A_41 = arith.xori %eq3A_21, %not3A : vector<288x128xi1>
    %and3A_42 = arith.andi %ge3A_18, %not3A_41 : vector<288x128xi1>
    %jit3A_43 = arith.constant 1073741824 : i32
    %broadcast_in_dim3A_44 = vector.broadcast %jit3A_43 : i32 to vector<288x128xi32>
    %select_n3A_45 = arith.select %and3A_42, %iota3A, %broadcast_in_dim3A_44 : vector<288x128xi1>, vector<288x128xi32>
    %reduce_min3A_46 = arith.constant dense<2147483647> : vector<128xi32>
    %reduce_min3A_47 = vector.multi_reduction <minsi>, %select_n3A_45, %reduce_min3A_46 [0] : vector<288x128xi32> to vector<128xi32>
    %broadcast_in_dim3A_48 = vector.shape_cast %reduce_min3A_47 : vector<128xi32> to vector<1x128xi32>
    %eq3A_49 = vector.broadcast %broadcast_in_dim3A_48 : vector<1x128xi32> to vector<288x128xi32>
    %eq3A_50 = arith.cmpi eq, %iota3A, %eq3A_49 : vector<288x128xi32>
    %lt3A_51 = arith.constant 1073741824 : i32
    %lt3A_52 = vector.broadcast %lt3A_51 : i32 to vector<128xi32>
    %lt3A_53 = arith.cmpi slt, %reduce_min3A_47, %lt3A_52 : vector<128xi32>
    %jit3A_54 = arith.constant 0.000000e+00 : f32
    %broadcast_in_dim3A_55 = vector.broadcast %jit3A_54 : f32 to vector<288x128xf32>
    %select_n3A_56 = arith.select %eq3A_50, %logistic3A_8, %broadcast_in_dim3A_55 : vector<288x128xi1>, vector<288x128xf32>
    %reduce_sum3A_57 = arith.constant dense<0.000000e+00> : vector<128xf32>
    %reduce_sum3A_58 = vector.multi_reduction <add>, %select_n3A_56, %reduce_sum3A_57 [0] : vector<288x128xf32> to vector<128xf32>
    %jit3A_59 = arith.constant -1.000000e+00 : f32
    %broadcast_in_dim3A_60 = vector.broadcast %jit3A_59 : f32 to vector<128xf32>
    %select_n3A_61 = arith.select %lt3A_53, %reduce_sum3A_58, %broadcast_in_dim3A_60 : vector<128xi1>, vector<128xf32>
    %broadcast_in_dim3A_62 = vector.shape_cast %select_n3A_61 : vector<128xf32> to vector<1x128xf32>
    %and3A_63 = arith.andi %eq3A_50, %and3A_42 : vector<288x128xi1>
    %jit3A_64 = arith.constant 0 : i32
    %broadcast_in_dim3A_65 = vector.broadcast %jit3A_64 : i32 to vector<288x128xi32>
    %select_n3A_66 = arith.select %and3A_63, %add3A, %broadcast_in_dim3A_65 : vector<288x128xi1>, vector<288x128xi32>
    %reduce_sum3A_67 = arith.constant dense<0> : vector<128xi32>
    %reduce_sum3A_68 = vector.multi_reduction <add>, %select_n3A_66, %reduce_sum3A_67 [0] : vector<288x128xi32> to vector<128xi32>
    %jit3A_69 = arith.constant 1073741824 : i32
    %broadcast_in_dim3A_70 = vector.broadcast %jit3A_69 : i32 to vector<128xi32>
    %select_n3A_71 = arith.select %lt3A_53, %reduce_sum3A_68, %broadcast_in_dim3A_70 : vector<128xi1>, vector<128xi32>
    %broadcast_in_dim3A_72 = vector.shape_cast %select_n3A_71 : vector<128xi32> to vector<1x128xi32>
    %not3A_73 = arith.constant dense<true> : vector<288x128xi1>
    %not3A_74 = arith.xori %eq3A_50, %not3A_73 : vector<288x128xi1>
    %and3A_75 = arith.andi %and3A_42, %not3A_74 : vector<288x128xi1>
    %jit3A_76 = arith.constant 1073741824 : i32
    %broadcast_in_dim3A_77 = vector.broadcast %jit3A_76 : i32 to vector<288x128xi32>
    %select_n3A_78 = arith.select %and3A_75, %iota3A, %broadcast_in_dim3A_77 : vector<288x128xi1>, vector<288x128xi32>
    %reduce_min3A_79 = arith.constant dense<2147483647> : vector<128xi32>
    %reduce_min3A_80 = vector.multi_reduction <minsi>, %select_n3A_78, %reduce_min3A_79 [0] : vector<288x128xi32> to vector<128xi32>
    %broadcast_in_dim3A_81 = vector.shape_cast %reduce_min3A_80 : vector<128xi32> to vector<1x128xi32>
    %eq3A_82 = vector.broadcast %broadcast_in_dim3A_81 : vector<1x128xi32> to vector<288x128xi32>
    %eq3A_83 = arith.cmpi eq, %iota3A, %eq3A_82 : vector<288x128xi32>
    %lt3A_84 = arith.constant 1073741824 : i32
    %lt3A_85 = vector.broadcast %lt3A_84 : i32 to vector<128xi32>
    %lt3A_86 = arith.cmpi slt, %reduce_min3A_80, %lt3A_85 : vector<128xi32>
    %jit3A_87 = arith.constant 0.000000e+00 : f32
    %broadcast_in_dim3A_88 = vector.broadcast %jit3A_87 : f32 to vector<288x128xf32>
    %select_n3A_89 = arith.select %eq3A_83, %logistic3A_8, %broadcast_in_dim3A_88 : vector<288x128xi1>, vector<288x128xf32>
    %reduce_sum3A_90 = arith.constant dense<0.000000e+00> : vector<128xf32>
    %reduce_sum3A_91 = vector.multi_reduction <add>, %select_n3A_89, %reduce_sum3A_90 [0] : vector<288x128xf32> to vector<128xf32>
    %jit3A_92 = arith.constant -1.000000e+00 : f32
    %broadcast_in_dim3A_93 = vector.broadcast %jit3A_92 : f32 to vector<128xf32>
    %select_n3A_94 = arith.select %lt3A_86, %reduce_sum3A_91, %broadcast_in_dim3A_93 : vector<128xi1>, vector<128xf32>
    %broadcast_in_dim3A_95 = vector.shape_cast %select_n3A_94 : vector<128xf32> to vector<1x128xf32>
    %and3A_96 = arith.andi %eq3A_83, %and3A_75 : vector<288x128xi1>
    %jit3A_97 = arith.constant 0 : i32
    %broadcast_in_dim3A_98 = vector.broadcast %jit3A_97 : i32 to vector<288x128xi32>
    %select_n3A_99 = arith.select %and3A_96, %add3A, %broadcast_in_dim3A_98 : vector<288x128xi1>, vector<288x128xi32>
    %reduce_sum3A_100 = arith.constant dense<0> : vector<128xi32>
    %reduce_sum3A_101 = vector.multi_reduction <add>, %select_n3A_99, %reduce_sum3A_100 [0] : vector<288x128xi32> to vector<128xi32>
    %jit3A_102 = arith.constant 1073741824 : i32
    %broadcast_in_dim3A_103 = vector.broadcast %jit3A_102 : i32 to vector<128xi32>
    %select_n3A_104 = arith.select %lt3A_86, %reduce_sum3A_101, %broadcast_in_dim3A_103 : vector<128xi1>, vector<128xi32>
    %broadcast_in_dim3A_105 = vector.shape_cast %select_n3A_104 : vector<128xi32> to vector<1x128xi32>
    %not3A_106 = arith.constant dense<true> : vector<288x128xi1>
    %not3A_107 = arith.xori %eq3A_83, %not3A_106 : vector<288x128xi1>
    %and3A_108 = arith.andi %and3A_75, %not3A_107 : vector<288x128xi1>
    %jit3A_109 = arith.constant 1073741824 : i32
    %broadcast_in_dim3A_110 = vector.broadcast %jit3A_109 : i32 to vector<288x128xi32>
    %select_n3A_111 = arith.select %and3A_108, %iota3A, %broadcast_in_dim3A_110 : vector<288x128xi1>, vector<288x128xi32>
    %reduce_min3A_112 = arith.constant dense<2147483647> : vector<128xi32>
    %reduce_min3A_113 = vector.multi_reduction <minsi>, %select_n3A_111, %reduce_min3A_112 [0] : vector<288x128xi32> to vector<128xi32>
    %broadcast_in_dim3A_114 = vector.shape_cast %reduce_min3A_113 : vector<128xi32> to vector<1x128xi32>
    %eq3A_115 = vector.broadcast %broadcast_in_dim3A_114 : vector<1x128xi32> to vector<288x128xi32>
    %eq3A_116 = arith.cmpi eq, %iota3A, %eq3A_115 : vector<288x128xi32>
    %lt3A_117 = arith.constant 1073741824 : i32
    %lt3A_118 = vector.broadcast %lt3A_117 : i32 to vector<128xi32>
    %lt3A_119 = arith.cmpi slt, %reduce_min3A_113, %lt3A_118 : vector<128xi32>
    %jit3A_120 = arith.constant 0.000000e+00 : f32
    %broadcast_in_dim3A_121 = vector.broadcast %jit3A_120 : f32 to vector<288x128xf32>
    %select_n3A_122 = arith.select %eq3A_116, %logistic3A_8, %broadcast_in_dim3A_121 : vector<288x128xi1>, vector<288x128xf32>
    %reduce_sum3A_123 = arith.constant dense<0.000000e+00> : vector<128xf32>
    %reduce_sum3A_124 = vector.multi_reduction <add>, %select_n3A_122, %reduce_sum3A_123 [0] : vector<288x128xf32> to vector<128xf32>
    %jit3A_125 = arith.constant -1.000000e+00 : f32
    %broadcast_in_dim3A_126 = vector.broadcast %jit3A_125 : f32 to vector<128xf32>
    %select_n3A_127 = arith.select %lt3A_119, %reduce_sum3A_124, %broadcast_in_dim3A_126 : vector<128xi1>, vector<128xf32>
    %broadcast_in_dim3A_128 = vector.shape_cast %select_n3A_127 : vector<128xf32> to vector<1x128xf32>
    %and3A_129 = arith.andi %eq3A_116, %and3A_108 : vector<288x128xi1>
    %jit3A_130 = arith.constant 0 : i32
    %broadcast_in_dim3A_131 = vector.broadcast %jit3A_130 : i32 to vector<288x128xi32>
    %select_n3A_132 = arith.select %and3A_129, %add3A, %broadcast_in_dim3A_131 : vector<288x128xi1>, vector<288x128xi32>
    %reduce_sum3A_133 = arith.constant dense<0> : vector<128xi32>
    %reduce_sum3A_134 = vector.multi_reduction <add>, %select_n3A_132, %reduce_sum3A_133 [0] : vector<288x128xi32> to vector<128xi32>
    %jit3A_135 = arith.constant 1073741824 : i32
    %broadcast_in_dim3A_136 = vector.broadcast %jit3A_135 : i32 to vector<128xi32>
    %select_n3A_137 = arith.select %lt3A_119, %reduce_sum3A_134, %broadcast_in_dim3A_136 : vector<128xi1>, vector<128xi32>
    %broadcast_in_dim3A_138 = vector.shape_cast %select_n3A_137 : vector<128xi32> to vector<1x128xi32>
    %not3A_139 = arith.constant dense<true> : vector<288x128xi1>
    %not3A_140 = arith.xori %eq3A_116, %not3A_139 : vector<288x128xi1>
    %and3A_141 = arith.andi %and3A_108, %not3A_140 : vector<288x128xi1>
    %jit3A_142 = arith.constant 1073741824 : i32
    %broadcast_in_dim3A_143 = vector.broadcast %jit3A_142 : i32 to vector<288x128xi32>
    %select_n3A_144 = arith.select %and3A_141, %iota3A, %broadcast_in_dim3A_143 : vector<288x128xi1>, vector<288x128xi32>
    %reduce_min3A_145 = arith.constant dense<2147483647> : vector<128xi32>
    %reduce_min3A_146 = vector.multi_reduction <minsi>, %select_n3A_144, %reduce_min3A_145 [0] : vector<288x128xi32> to vector<128xi32>
    %broadcast_in_dim3A_147 = vector.shape_cast %reduce_min3A_146 : vector<128xi32> to vector<1x128xi32>
    %eq3A_148 = vector.broadcast %broadcast_in_dim3A_147 : vector<1x128xi32> to vector<288x128xi32>
    %eq3A_149 = arith.cmpi eq, %iota3A, %eq3A_148 : vector<288x128xi32>
    %lt3A_150 = arith.constant 1073741824 : i32
    %lt3A_151 = vector.broadcast %lt3A_150 : i32 to vector<128xi32>
    %lt3A_152 = arith.cmpi slt, %reduce_min3A_146, %lt3A_151 : vector<128xi32>
    %jit3A_153 = arith.constant 0.000000e+00 : f32
    %broadcast_in_dim3A_154 = vector.broadcast %jit3A_153 : f32 to vector<288x128xf32>
    %select_n3A_155 = arith.select %eq3A_149, %logistic3A_8, %broadcast_in_dim3A_154 : vector<288x128xi1>, vector<288x128xf32>
    %reduce_sum3A_156 = arith.constant dense<0.000000e+00> : vector<128xf32>
    %reduce_sum3A_157 = vector.multi_reduction <add>, %select_n3A_155, %reduce_sum3A_156 [0] : vector<288x128xf32> to vector<128xf32>
    %jit3A_158 = arith.constant -1.000000e+00 : f32
    %broadcast_in_dim3A_159 = vector.broadcast %jit3A_158 : f32 to vector<128xf32>
    %select_n3A_160 = arith.select %lt3A_152, %reduce_sum3A_157, %broadcast_in_dim3A_159 : vector<128xi1>, vector<128xf32>
    %broadcast_in_dim3A_161 = vector.shape_cast %select_n3A_160 : vector<128xf32> to vector<1x128xf32>
    %and3A_162 = arith.andi %eq3A_149, %and3A_141 : vector<288x128xi1>
    %jit3A_163 = arith.constant 0 : i32
    %broadcast_in_dim3A_164 = vector.broadcast %jit3A_163 : i32 to vector<288x128xi32>
    %select_n3A_165 = arith.select %and3A_162, %add3A, %broadcast_in_dim3A_164 : vector<288x128xi1>, vector<288x128xi32>
    %reduce_sum3A_166 = arith.constant dense<0> : vector<128xi32>
    %reduce_sum3A_167 = vector.multi_reduction <add>, %select_n3A_165, %reduce_sum3A_166 [0] : vector<288x128xi32> to vector<128xi32>
    %jit3A_168 = arith.constant 1073741824 : i32
    %broadcast_in_dim3A_169 = vector.broadcast %jit3A_168 : i32 to vector<128xi32>
    %select_n3A_170 = arith.select %lt3A_152, %reduce_sum3A_167, %broadcast_in_dim3A_169 : vector<128xi1>, vector<128xi32>
    %broadcast_in_dim3A_171 = vector.shape_cast %select_n3A_170 : vector<128xi32> to vector<1x128xi32>
    %not3A_172 = arith.constant dense<true> : vector<288x128xi1>
    %not3A_173 = arith.xori %eq3A_149, %not3A_172 : vector<288x128xi1>
    %and3A_174 = arith.andi %and3A_141, %not3A_173 : vector<288x128xi1>
    %jit3A_175 = arith.constant 1073741824 : i32
    %broadcast_in_dim3A_176 = vector.broadcast %jit3A_175 : i32 to vector<288x128xi32>
    %select_n3A_177 = arith.select %and3A_174, %iota3A, %broadcast_in_dim3A_176 : vector<288x128xi1>, vector<288x128xi32>
    %reduce_min3A_178 = arith.constant dense<2147483647> : vector<128xi32>
    %reduce_min3A_179 = vector.multi_reduction <minsi>, %select_n3A_177, %reduce_min3A_178 [0] : vector<288x128xi32> to vector<128xi32>
    %broadcast_in_dim3A_180 = vector.shape_cast %reduce_min3A_179 : vector<128xi32> to vector<1x128xi32>
    %eq3A_181 = vector.broadcast %broadcast_in_dim3A_180 : vector<1x128xi32> to vector<288x128xi32>
    %eq3A_182 = arith.cmpi eq, %iota3A, %eq3A_181 : vector<288x128xi32>
    %lt3A_183 = arith.constant 1073741824 : i32
    %lt3A_184 = vector.broadcast %lt3A_183 : i32 to vector<128xi32>
    %lt3A_185 = arith.cmpi slt, %reduce_min3A_179, %lt3A_184 : vector<128xi32>
    %jit3A_186 = arith.constant 0.000000e+00 : f32
    %broadcast_in_dim3A_187 = vector.broadcast %jit3A_186 : f32 to vector<288x128xf32>
    %select_n3A_188 = arith.select %eq3A_182, %logistic3A_8, %broadcast_in_dim3A_187 : vector<288x128xi1>, vector<288x128xf32>
    %reduce_sum3A_189 = arith.constant dense<0.000000e+00> : vector<128xf32>
    %reduce_sum3A_190 = vector.multi_reduction <add>, %select_n3A_188, %reduce_sum3A_189 [0] : vector<288x128xf32> to vector<128xf32>
    %jit3A_191 = arith.constant -1.000000e+00 : f32
    %broadcast_in_dim3A_192 = vector.broadcast %jit3A_191 : f32 to vector<128xf32>
    %select_n3A_193 = arith.select %lt3A_185, %reduce_sum3A_190, %broadcast_in_dim3A_192 : vector<128xi1>, vector<128xf32>
    %broadcast_in_dim3A_194 = vector.shape_cast %select_n3A_193 : vector<128xf32> to vector<1x128xf32>
    %and3A_195 = arith.andi %eq3A_182, %and3A_174 : vector<288x128xi1>
    %jit3A_196 = arith.constant 0 : i32
    %broadcast_in_dim3A_197 = vector.broadcast %jit3A_196 : i32 to vector<288x128xi32>
    %select_n3A_198 = arith.select %and3A_195, %add3A, %broadcast_in_dim3A_197 : vector<288x128xi1>, vector<288x128xi32>
    %reduce_sum3A_199 = arith.constant dense<0> : vector<128xi32>
    %reduce_sum3A_200 = vector.multi_reduction <add>, %select_n3A_198, %reduce_sum3A_199 [0] : vector<288x128xi32> to vector<128xi32>
    %jit3A_201 = arith.constant 1073741824 : i32
    %broadcast_in_dim3A_202 = vector.broadcast %jit3A_201 : i32 to vector<128xi32>
    %select_n3A_203 = arith.select %lt3A_185, %reduce_sum3A_200, %broadcast_in_dim3A_202 : vector<128xi1>, vector<128xi32>
    %broadcast_in_dim3A_204 = vector.shape_cast %select_n3A_203 : vector<128xi32> to vector<1x128xi32>
    %not3A_205 = arith.constant dense<true> : vector<288x128xi1>
    %not3A_206 = arith.xori %eq3A_182, %not3A_205 : vector<288x128xi1>
    %and3A_207 = arith.andi %and3A_174, %not3A_206 : vector<288x128xi1>
    %jit3A_208 = arith.constant 1073741824 : i32
    %broadcast_in_dim3A_209 = vector.broadcast %jit3A_208 : i32 to vector<288x128xi32>
    %select_n3A_210 = arith.select %and3A_207, %iota3A, %broadcast_in_dim3A_209 : vector<288x128xi1>, vector<288x128xi32>
    %reduce_min3A_211 = arith.constant dense<2147483647> : vector<128xi32>
    %reduce_min3A_212 = vector.multi_reduction <minsi>, %select_n3A_210, %reduce_min3A_211 [0] : vector<288x128xi32> to vector<128xi32>
    %broadcast_in_dim3A_213 = vector.shape_cast %reduce_min3A_212 : vector<128xi32> to vector<1x128xi32>
    %eq3A_214 = vector.broadcast %broadcast_in_dim3A_213 : vector<1x128xi32> to vector<288x128xi32>
    %eq3A_215 = arith.cmpi eq, %iota3A, %eq3A_214 : vector<288x128xi32>
    %lt3A_216 = arith.constant 1073741824 : i32
    %lt3A_217 = vector.broadcast %lt3A_216 : i32 to vector<128xi32>
    %lt3A_218 = arith.cmpi slt, %reduce_min3A_212, %lt3A_217 : vector<128xi32>
    %jit3A_219 = arith.constant 0.000000e+00 : f32
    %broadcast_in_dim3A_220 = vector.broadcast %jit3A_219 : f32 to vector<288x128xf32>
    %select_n3A_221 = arith.select %eq3A_215, %logistic3A_8, %broadcast_in_dim3A_220 : vector<288x128xi1>, vector<288x128xf32>
    %reduce_sum3A_222 = arith.constant dense<0.000000e+00> : vector<128xf32>
    %reduce_sum3A_223 = vector.multi_reduction <add>, %select_n3A_221, %reduce_sum3A_222 [0] : vector<288x128xf32> to vector<128xf32>
    %jit3A_224 = arith.constant -1.000000e+00 : f32
    %broadcast_in_dim3A_225 = vector.broadcast %jit3A_224 : f32 to vector<128xf32>
    %select_n3A_226 = arith.select %lt3A_218, %reduce_sum3A_223, %broadcast_in_dim3A_225 : vector<128xi1>, vector<128xf32>
    %broadcast_in_dim3A_227 = vector.shape_cast %select_n3A_226 : vector<128xf32> to vector<1x128xf32>
    %and3A_228 = arith.andi %eq3A_215, %and3A_207 : vector<288x128xi1>
    %jit3A_229 = arith.constant 0 : i32
    %broadcast_in_dim3A_230 = vector.broadcast %jit3A_229 : i32 to vector<288x128xi32>
    %select_n3A_231 = arith.select %and3A_228, %add3A, %broadcast_in_dim3A_230 : vector<288x128xi1>, vector<288x128xi32>
    %reduce_sum3A_232 = arith.constant dense<0> : vector<128xi32>
    %reduce_sum3A_233 = vector.multi_reduction <add>, %select_n3A_231, %reduce_sum3A_232 [0] : vector<288x128xi32> to vector<128xi32>
    %jit3A_234 = arith.constant 1073741824 : i32
    %broadcast_in_dim3A_235 = vector.broadcast %jit3A_234 : i32 to vector<128xi32>
    %select_n3A_236 = arith.select %lt3A_218, %reduce_sum3A_233, %broadcast_in_dim3A_235 : vector<128xi1>, vector<128xi32>
    %broadcast_in_dim3A_237 = vector.shape_cast %select_n3A_236 : vector<128xi32> to vector<1x128xi32>
    %not3A_238 = arith.constant dense<true> : vector<288x128xi1>
    %not3A_239 = arith.xori %eq3A_215, %not3A_238 : vector<288x128xi1>
    %and3A_240 = arith.andi %and3A_207, %not3A_239 : vector<288x128xi1>
    %jit3A_241 = arith.constant 1073741824 : i32
    %broadcast_in_dim3A_242 = vector.broadcast %jit3A_241 : i32 to vector<288x128xi32>
    %select_n3A_243 = arith.select %and3A_240, %iota3A, %broadcast_in_dim3A_242 : vector<288x128xi1>, vector<288x128xi32>
    %reduce_min3A_244 = arith.constant dense<2147483647> : vector<128xi32>
    %reduce_min3A_245 = vector.multi_reduction <minsi>, %select_n3A_243, %reduce_min3A_244 [0] : vector<288x128xi32> to vector<128xi32>
    %broadcast_in_dim3A_246 = vector.shape_cast %reduce_min3A_245 : vector<128xi32> to vector<1x128xi32>
    %eq3A_247 = vector.broadcast %broadcast_in_dim3A_246 : vector<1x128xi32> to vector<288x128xi32>
    %eq3A_248 = arith.cmpi eq, %iota3A, %eq3A_247 : vector<288x128xi32>
    %lt3A_249 = arith.constant 1073741824 : i32
    %lt3A_250 = vector.broadcast %lt3A_249 : i32 to vector<128xi32>
    %lt3A_251 = arith.cmpi slt, %reduce_min3A_245, %lt3A_250 : vector<128xi32>
    %jit3A_252 = arith.constant 0.000000e+00 : f32
    %broadcast_in_dim3A_253 = vector.broadcast %jit3A_252 : f32 to vector<288x128xf32>
    %select_n3A_254 = arith.select %eq3A_248, %logistic3A_8, %broadcast_in_dim3A_253 : vector<288x128xi1>, vector<288x128xf32>
    %reduce_sum3A_255 = arith.constant dense<0.000000e+00> : vector<128xf32>
    %reduce_sum3A_256 = vector.multi_reduction <add>, %select_n3A_254, %reduce_sum3A_255 [0] : vector<288x128xf32> to vector<128xf32>
    %jit3A_257 = arith.constant -1.000000e+00 : f32
    %broadcast_in_dim3A_258 = vector.broadcast %jit3A_257 : f32 to vector<128xf32>
    %select_n3A_259 = arith.select %lt3A_251, %reduce_sum3A_256, %broadcast_in_dim3A_258 : vector<128xi1>, vector<128xf32>
    %broadcast_in_dim3A_260 = vector.shape_cast %select_n3A_259 : vector<128xf32> to vector<1x128xf32>
    %and3A_261 = arith.andi %eq3A_248, %and3A_240 : vector<288x128xi1>
    %jit3A_262 = arith.constant 0 : i32
    %broadcast_in_dim3A_263 = vector.broadcast %jit3A_262 : i32 to vector<288x128xi32>
    %select_n3A_264 = arith.select %and3A_261, %add3A, %broadcast_in_dim3A_263 : vector<288x128xi1>, vector<288x128xi32>
    %reduce_sum3A_265 = arith.constant dense<0> : vector<128xi32>
    %reduce_sum3A_266 = vector.multi_reduction <add>, %select_n3A_264, %reduce_sum3A_265 [0] : vector<288x128xi32> to vector<128xi32>
    %jit3A_267 = arith.constant 1073741824 : i32
    %broadcast_in_dim3A_268 = vector.broadcast %jit3A_267 : i32 to vector<128xi32>
    %select_n3A_269 = arith.select %lt3A_251, %reduce_sum3A_266, %broadcast_in_dim3A_268 : vector<128xi1>, vector<128xi32>
    %broadcast_in_dim3A_270 = vector.shape_cast %select_n3A_269 : vector<128xi32> to vector<1x128xi32>
    %not3A_271 = arith.constant dense<true> : vector<288x128xi1>
    %not3A_272 = arith.xori %eq3A_248, %not3A_271 : vector<288x128xi1>
    %and3A_273 = arith.andi %and3A_240, %not3A_272 : vector<288x128xi1>
    %jit3A_274 = arith.constant 1073741824 : i32
    %broadcast_in_dim3A_275 = vector.broadcast %jit3A_274 : i32 to vector<288x128xi32>
    %select_n3A_276 = arith.select %and3A_273, %iota3A, %broadcast_in_dim3A_275 : vector<288x128xi1>, vector<288x128xi32>
    %reduce_min3A_277 = arith.constant dense<2147483647> : vector<128xi32>
    %reduce_min3A_278 = vector.multi_reduction <minsi>, %select_n3A_276, %reduce_min3A_277 [0] : vector<288x128xi32> to vector<128xi32>
    %broadcast_in_dim3A_279 = vector.shape_cast %reduce_min3A_278 : vector<128xi32> to vector<1x128xi32>
    %eq3A_280 = vector.broadcast %broadcast_in_dim3A_279 : vector<1x128xi32> to vector<288x128xi32>
    %eq3A_281 = arith.cmpi eq, %iota3A, %eq3A_280 : vector<288x128xi32>
    %lt3A_282 = arith.constant 1073741824 : i32
    %lt3A_283 = vector.broadcast %lt3A_282 : i32 to vector<128xi32>
    %lt3A_284 = arith.cmpi slt, %reduce_min3A_278, %lt3A_283 : vector<128xi32>
    %jit3A_285 = arith.constant 0.000000e+00 : f32
    %broadcast_in_dim3A_286 = vector.broadcast %jit3A_285 : f32 to vector<288x128xf32>
    %select_n3A_287 = arith.select %eq3A_281, %logistic3A_8, %broadcast_in_dim3A_286 : vector<288x128xi1>, vector<288x128xf32>
    %reduce_sum3A_288 = arith.constant dense<0.000000e+00> : vector<128xf32>
    %reduce_sum3A_289 = vector.multi_reduction <add>, %select_n3A_287, %reduce_sum3A_288 [0] : vector<288x128xf32> to vector<128xf32>
    %jit3A_290 = arith.constant -1.000000e+00 : f32
    %broadcast_in_dim3A_291 = vector.broadcast %jit3A_290 : f32 to vector<128xf32>
    %select_n3A_292 = arith.select %lt3A_284, %reduce_sum3A_289, %broadcast_in_dim3A_291 : vector<128xi1>, vector<128xf32>
    %broadcast_in_dim3A_293 = vector.shape_cast %select_n3A_292 : vector<128xf32> to vector<1x128xf32>
    %and3A_294 = arith.andi %eq3A_281, %and3A_273 : vector<288x128xi1>
    %jit3A_295 = arith.constant 0 : i32
    %broadcast_in_dim3A_296 = vector.broadcast %jit3A_295 : i32 to vector<288x128xi32>
    %select_n3A_297 = arith.select %and3A_294, %add3A, %broadcast_in_dim3A_296 : vector<288x128xi1>, vector<288x128xi32>
    %reduce_sum3A_298 = arith.constant dense<0> : vector<128xi32>
    %reduce_sum3A_299 = vector.multi_reduction <add>, %select_n3A_297, %reduce_sum3A_298 [0] : vector<288x128xi32> to vector<128xi32>
    %jit3A_300 = arith.constant 1073741824 : i32
    %broadcast_in_dim3A_301 = vector.broadcast %jit3A_300 : i32 to vector<128xi32>
    %select_n3A_302 = arith.select %lt3A_284, %reduce_sum3A_299, %broadcast_in_dim3A_301 : vector<128xi1>, vector<128xi32>
    %broadcast_in_dim3A_303 = vector.shape_cast %select_n3A_302 : vector<128xi32> to vector<1x128xi32>
    %not3A_304 = arith.constant dense<true> : vector<288x128xi1>
    %not3A_305 = arith.xori %eq3A_281, %not3A_304 : vector<288x128xi1>
    %and3A_306 = arith.andi %and3A_273, %not3A_305 : vector<288x128xi1>
    %jit3A_307 = arith.constant 1073741824 : i32
    %broadcast_in_dim3A_308 = vector.broadcast %jit3A_307 : i32 to vector<288x128xi32>
    %select_n3A_309 = arith.select %and3A_306, %iota3A, %broadcast_in_dim3A_308 : vector<288x128xi1>, vector<288x128xi32>
    %reduce_min3A_310 = arith.constant dense<2147483647> : vector<128xi32>
    %reduce_min3A_311 = vector.multi_reduction <minsi>, %select_n3A_309, %reduce_min3A_310 [0] : vector<288x128xi32> to vector<128xi32>
    %broadcast_in_dim3A_312 = vector.shape_cast %reduce_min3A_311 : vector<128xi32> to vector<1x128xi32>
    %eq3A_313 = vector.broadcast %broadcast_in_dim3A_312 : vector<1x128xi32> to vector<288x128xi32>
    %eq3A_314 = arith.cmpi eq, %iota3A, %eq3A_313 : vector<288x128xi32>
    %lt3A_315 = arith.constant 1073741824 : i32
    %lt3A_316 = vector.broadcast %lt3A_315 : i32 to vector<128xi32>
    %lt3A_317 = arith.cmpi slt, %reduce_min3A_311, %lt3A_316 : vector<128xi32>
    %jit3A_318 = arith.constant 0.000000e+00 : f32
    %broadcast_in_dim3A_319 = vector.broadcast %jit3A_318 : f32 to vector<288x128xf32>
    %select_n3A_320 = arith.select %eq3A_314, %logistic3A_8, %broadcast_in_dim3A_319 : vector<288x128xi1>, vector<288x128xf32>
    %reduce_sum3A_321 = arith.constant dense<0.000000e+00> : vector<128xf32>
    %reduce_sum3A_322 = vector.multi_reduction <add>, %select_n3A_320, %reduce_sum3A_321 [0] : vector<288x128xf32> to vector<128xf32>
    %jit3A_323 = arith.constant -1.000000e+00 : f32
    %broadcast_in_dim3A_324 = vector.broadcast %jit3A_323 : f32 to vector<128xf32>
    %select_n3A_325 = arith.select %lt3A_317, %reduce_sum3A_322, %broadcast_in_dim3A_324 : vector<128xi1>, vector<128xf32>
    %broadcast_in_dim3A_326 = vector.shape_cast %select_n3A_325 : vector<128xf32> to vector<1x128xf32>
    %and3A_327 = arith.andi %eq3A_314, %and3A_306 : vector<288x128xi1>
    %jit3A_328 = arith.constant 0 : i32
    %broadcast_in_dim3A_329 = vector.broadcast %jit3A_328 : i32 to vector<288x128xi32>
    %select_n3A_330 = arith.select %and3A_327, %add3A, %broadcast_in_dim3A_329 : vector<288x128xi1>, vector<288x128xi32>
    %reduce_sum3A_331 = arith.constant dense<0> : vector<128xi32>
    %reduce_sum3A_332 = vector.multi_reduction <add>, %select_n3A_330, %reduce_sum3A_331 [0] : vector<288x128xi32> to vector<128xi32>
    %jit3A_333 = arith.constant 1073741824 : i32
    %broadcast_in_dim3A_334 = vector.broadcast %jit3A_333 : i32 to vector<128xi32>
    %select_n3A_335 = arith.select %lt3A_317, %reduce_sum3A_332, %broadcast_in_dim3A_334 : vector<128xi1>, vector<128xi32>
    %broadcast_in_dim3A_336 = vector.shape_cast %select_n3A_335 : vector<128xi32> to vector<1x128xi32>
    %not3A_337 = arith.constant dense<true> : vector<288x128xi1>
    %not3A_338 = arith.xori %eq3A_314, %not3A_337 : vector<288x128xi1>
    %and3A_339 = arith.andi %and3A_306, %not3A_338 : vector<288x128xi1>
    %jit3A_340 = arith.constant 1073741824 : i32
    %broadcast_in_dim3A_341 = vector.broadcast %jit3A_340 : i32 to vector<288x128xi32>
    %select_n3A_342 = arith.select %and3A_339, %iota3A, %broadcast_in_dim3A_341 : vector<288x128xi1>, vector<288x128xi32>
    %reduce_min3A_343 = arith.constant dense<2147483647> : vector<128xi32>
    %reduce_min3A_344 = vector.multi_reduction <minsi>, %select_n3A_342, %reduce_min3A_343 [0] : vector<288x128xi32> to vector<128xi32>
    %broadcast_in_dim3A_345 = vector.shape_cast %reduce_min3A_344 : vector<128xi32> to vector<1x128xi32>
    %eq3A_346 = vector.broadcast %broadcast_in_dim3A_345 : vector<1x128xi32> to vector<288x128xi32>
    %eq3A_347 = arith.cmpi eq, %iota3A, %eq3A_346 : vector<288x128xi32>
    %lt3A_348 = arith.constant 1073741824 : i32
    %lt3A_349 = vector.broadcast %lt3A_348 : i32 to vector<128xi32>
    %lt3A_350 = arith.cmpi slt, %reduce_min3A_344, %lt3A_349 : vector<128xi32>
    %jit3A_351 = arith.constant 0.000000e+00 : f32
    %broadcast_in_dim3A_352 = vector.broadcast %jit3A_351 : f32 to vector<288x128xf32>
    %select_n3A_353 = arith.select %eq3A_347, %logistic3A_8, %broadcast_in_dim3A_352 : vector<288x128xi1>, vector<288x128xf32>
    %reduce_sum3A_354 = arith.constant dense<0.000000e+00> : vector<128xf32>
    %reduce_sum3A_355 = vector.multi_reduction <add>, %select_n3A_353, %reduce_sum3A_354 [0] : vector<288x128xf32> to vector<128xf32>
    %jit3A_356 = arith.constant -1.000000e+00 : f32
    %broadcast_in_dim3A_357 = vector.broadcast %jit3A_356 : f32 to vector<128xf32>
    %select_n3A_358 = arith.select %lt3A_350, %reduce_sum3A_355, %broadcast_in_dim3A_357 : vector<128xi1>, vector<128xf32>
    %broadcast_in_dim3A_359 = vector.shape_cast %select_n3A_358 : vector<128xf32> to vector<1x128xf32>
    %and3A_360 = arith.andi %eq3A_347, %and3A_339 : vector<288x128xi1>
    %jit3A_361 = arith.constant 0 : i32
    %broadcast_in_dim3A_362 = vector.broadcast %jit3A_361 : i32 to vector<288x128xi32>
    %select_n3A_363 = arith.select %and3A_360, %add3A, %broadcast_in_dim3A_362 : vector<288x128xi1>, vector<288x128xi32>
    %reduce_sum3A_364 = arith.constant dense<0> : vector<128xi32>
    %reduce_sum3A_365 = vector.multi_reduction <add>, %select_n3A_363, %reduce_sum3A_364 [0] : vector<288x128xi32> to vector<128xi32>
    %jit3A_366 = arith.constant 1073741824 : i32
    %broadcast_in_dim3A_367 = vector.broadcast %jit3A_366 : i32 to vector<128xi32>
    %select_n3A_368 = arith.select %lt3A_350, %reduce_sum3A_365, %broadcast_in_dim3A_367 : vector<128xi1>, vector<128xi32>
    %broadcast_in_dim3A_369 = vector.shape_cast %select_n3A_368 : vector<128xi32> to vector<1x128xi32>
    %not3A_370 = arith.constant dense<true> : vector<288x128xi1>
    %not3A_371 = arith.xori %eq3A_347, %not3A_370 : vector<288x128xi1>
    %and3A_372 = arith.andi %and3A_339, %not3A_371 : vector<288x128xi1>
    %jit3A_373 = arith.constant 1073741824 : i32
    %broadcast_in_dim3A_374 = vector.broadcast %jit3A_373 : i32 to vector<288x128xi32>
    %select_n3A_375 = arith.select %and3A_372, %iota3A, %broadcast_in_dim3A_374 : vector<288x128xi1>, vector<288x128xi32>
    %reduce_min3A_376 = arith.constant dense<2147483647> : vector<128xi32>
    %reduce_min3A_377 = vector.multi_reduction <minsi>, %select_n3A_375, %reduce_min3A_376 [0] : vector<288x128xi32> to vector<128xi32>
    %broadcast_in_dim3A_378 = vector.shape_cast %reduce_min3A_377 : vector<128xi32> to vector<1x128xi32>
    %eq3A_379 = vector.broadcast %broadcast_in_dim3A_378 : vector<1x128xi32> to vector<288x128xi32>
    %eq3A_380 = arith.cmpi eq, %iota3A, %eq3A_379 : vector<288x128xi32>
    %lt3A_381 = arith.constant 1073741824 : i32
    %lt3A_382 = vector.broadcast %lt3A_381 : i32 to vector<128xi32>
    %lt3A_383 = arith.cmpi slt, %reduce_min3A_377, %lt3A_382 : vector<128xi32>
    %jit3A_384 = arith.constant 0.000000e+00 : f32
    %broadcast_in_dim3A_385 = vector.broadcast %jit3A_384 : f32 to vector<288x128xf32>
    %select_n3A_386 = arith.select %eq3A_380, %logistic3A_8, %broadcast_in_dim3A_385 : vector<288x128xi1>, vector<288x128xf32>
    %reduce_sum3A_387 = arith.constant dense<0.000000e+00> : vector<128xf32>
    %reduce_sum3A_388 = vector.multi_reduction <add>, %select_n3A_386, %reduce_sum3A_387 [0] : vector<288x128xf32> to vector<128xf32>
    %jit3A_389 = arith.constant -1.000000e+00 : f32
    %broadcast_in_dim3A_390 = vector.broadcast %jit3A_389 : f32 to vector<128xf32>
    %select_n3A_391 = arith.select %lt3A_383, %reduce_sum3A_388, %broadcast_in_dim3A_390 : vector<128xi1>, vector<128xf32>
    %broadcast_in_dim3A_392 = vector.shape_cast %select_n3A_391 : vector<128xf32> to vector<1x128xf32>
    %and3A_393 = arith.andi %eq3A_380, %and3A_372 : vector<288x128xi1>
    %jit3A_394 = arith.constant 0 : i32
    %broadcast_in_dim3A_395 = vector.broadcast %jit3A_394 : i32 to vector<288x128xi32>
    %select_n3A_396 = arith.select %and3A_393, %add3A, %broadcast_in_dim3A_395 : vector<288x128xi1>, vector<288x128xi32>
    %reduce_sum3A_397 = arith.constant dense<0> : vector<128xi32>
    %reduce_sum3A_398 = vector.multi_reduction <add>, %select_n3A_396, %reduce_sum3A_397 [0] : vector<288x128xi32> to vector<128xi32>
    %jit3A_399 = arith.constant 1073741824 : i32
    %broadcast_in_dim3A_400 = vector.broadcast %jit3A_399 : i32 to vector<128xi32>
    %select_n3A_401 = arith.select %lt3A_383, %reduce_sum3A_398, %broadcast_in_dim3A_400 : vector<128xi1>, vector<128xi32>
    %broadcast_in_dim3A_402 = vector.shape_cast %select_n3A_401 : vector<128xi32> to vector<1x128xi32>
    %not3A_403 = arith.constant dense<true> : vector<288x128xi1>
    %not3A_404 = arith.xori %eq3A_380, %not3A_403 : vector<288x128xi1>
    %and3A_405 = arith.andi %and3A_372, %not3A_404 : vector<288x128xi1>
    %jit3A_406 = arith.constant 1073741824 : i32
    %broadcast_in_dim3A_407 = vector.broadcast %jit3A_406 : i32 to vector<288x128xi32>
    %select_n3A_408 = arith.select %and3A_405, %iota3A, %broadcast_in_dim3A_407 : vector<288x128xi1>, vector<288x128xi32>
    %reduce_min3A_409 = arith.constant dense<2147483647> : vector<128xi32>
    %reduce_min3A_410 = vector.multi_reduction <minsi>, %select_n3A_408, %reduce_min3A_409 [0] : vector<288x128xi32> to vector<128xi32>
    %broadcast_in_dim3A_411 = vector.shape_cast %reduce_min3A_410 : vector<128xi32> to vector<1x128xi32>
    %eq3A_412 = vector.broadcast %broadcast_in_dim3A_411 : vector<1x128xi32> to vector<288x128xi32>
    %eq3A_413 = arith.cmpi eq, %iota3A, %eq3A_412 : vector<288x128xi32>
    %lt3A_414 = arith.constant 1073741824 : i32
    %lt3A_415 = vector.broadcast %lt3A_414 : i32 to vector<128xi32>
    %lt3A_416 = arith.cmpi slt, %reduce_min3A_410, %lt3A_415 : vector<128xi32>
    %jit3A_417 = arith.constant 0.000000e+00 : f32
    %broadcast_in_dim3A_418 = vector.broadcast %jit3A_417 : f32 to vector<288x128xf32>
    %select_n3A_419 = arith.select %eq3A_413, %logistic3A_8, %broadcast_in_dim3A_418 : vector<288x128xi1>, vector<288x128xf32>
    %reduce_sum3A_420 = arith.constant dense<0.000000e+00> : vector<128xf32>
    %reduce_sum3A_421 = vector.multi_reduction <add>, %select_n3A_419, %reduce_sum3A_420 [0] : vector<288x128xf32> to vector<128xf32>
    %jit3A_422 = arith.constant -1.000000e+00 : f32
    %broadcast_in_dim3A_423 = vector.broadcast %jit3A_422 : f32 to vector<128xf32>
    %select_n3A_424 = arith.select %lt3A_416, %reduce_sum3A_421, %broadcast_in_dim3A_423 : vector<128xi1>, vector<128xf32>
    %broadcast_in_dim3A_425 = vector.shape_cast %select_n3A_424 : vector<128xf32> to vector<1x128xf32>
    %and3A_426 = arith.andi %eq3A_413, %and3A_405 : vector<288x128xi1>
    %jit3A_427 = arith.constant 0 : i32
    %broadcast_in_dim3A_428 = vector.broadcast %jit3A_427 : i32 to vector<288x128xi32>
    %select_n3A_429 = arith.select %and3A_426, %add3A, %broadcast_in_dim3A_428 : vector<288x128xi1>, vector<288x128xi32>
    %reduce_sum3A_430 = arith.constant dense<0> : vector<128xi32>
    %reduce_sum3A_431 = vector.multi_reduction <add>, %select_n3A_429, %reduce_sum3A_430 [0] : vector<288x128xi32> to vector<128xi32>
    %jit3A_432 = arith.constant 1073741824 : i32
    %broadcast_in_dim3A_433 = vector.broadcast %jit3A_432 : i32 to vector<128xi32>
    %select_n3A_434 = arith.select %lt3A_416, %reduce_sum3A_431, %broadcast_in_dim3A_433 : vector<128xi1>, vector<128xi32>
    %broadcast_in_dim3A_435 = vector.shape_cast %select_n3A_434 : vector<128xi32> to vector<1x128xi32>
    %not3A_436 = arith.constant dense<true> : vector<288x128xi1>
    %not3A_437 = arith.xori %eq3A_413, %not3A_436 : vector<288x128xi1>
    %and3A_438 = arith.andi %and3A_405, %not3A_437 : vector<288x128xi1>
    %jit3A_439 = arith.constant 1073741824 : i32
    %broadcast_in_dim3A_440 = vector.broadcast %jit3A_439 : i32 to vector<288x128xi32>
    %select_n3A_441 = arith.select %and3A_438, %iota3A, %broadcast_in_dim3A_440 : vector<288x128xi1>, vector<288x128xi32>
    %reduce_min3A_442 = arith.constant dense<2147483647> : vector<128xi32>
    %reduce_min3A_443 = vector.multi_reduction <minsi>, %select_n3A_441, %reduce_min3A_442 [0] : vector<288x128xi32> to vector<128xi32>
    %broadcast_in_dim3A_444 = vector.shape_cast %reduce_min3A_443 : vector<128xi32> to vector<1x128xi32>
    %eq3A_445 = vector.broadcast %broadcast_in_dim3A_444 : vector<1x128xi32> to vector<288x128xi32>
    %eq3A_446 = arith.cmpi eq, %iota3A, %eq3A_445 : vector<288x128xi32>
    %lt3A_447 = arith.constant 1073741824 : i32
    %lt3A_448 = vector.broadcast %lt3A_447 : i32 to vector<128xi32>
    %lt3A_449 = arith.cmpi slt, %reduce_min3A_443, %lt3A_448 : vector<128xi32>
    %jit3A_450 = arith.constant 0.000000e+00 : f32
    %broadcast_in_dim3A_451 = vector.broadcast %jit3A_450 : f32 to vector<288x128xf32>
    %select_n3A_452 = arith.select %eq3A_446, %logistic3A_8, %broadcast_in_dim3A_451 : vector<288x128xi1>, vector<288x128xf32>
    %reduce_sum3A_453 = arith.constant dense<0.000000e+00> : vector<128xf32>
    %reduce_sum3A_454 = vector.multi_reduction <add>, %select_n3A_452, %reduce_sum3A_453 [0] : vector<288x128xf32> to vector<128xf32>
    %jit3A_455 = arith.constant -1.000000e+00 : f32
    %broadcast_in_dim3A_456 = vector.broadcast %jit3A_455 : f32 to vector<128xf32>
    %select_n3A_457 = arith.select %lt3A_449, %reduce_sum3A_454, %broadcast_in_dim3A_456 : vector<128xi1>, vector<128xf32>
    %broadcast_in_dim3A_458 = vector.shape_cast %select_n3A_457 : vector<128xf32> to vector<1x128xf32>
    %and3A_459 = arith.andi %eq3A_446, %and3A_438 : vector<288x128xi1>
    %jit3A_460 = arith.constant 0 : i32
    %broadcast_in_dim3A_461 = vector.broadcast %jit3A_460 : i32 to vector<288x128xi32>
    %select_n3A_462 = arith.select %and3A_459, %add3A, %broadcast_in_dim3A_461 : vector<288x128xi1>, vector<288x128xi32>
    %reduce_sum3A_463 = arith.constant dense<0> : vector<128xi32>
    %reduce_sum3A_464 = vector.multi_reduction <add>, %select_n3A_462, %reduce_sum3A_463 [0] : vector<288x128xi32> to vector<128xi32>
    %jit3A_465 = arith.constant 1073741824 : i32
    %broadcast_in_dim3A_466 = vector.broadcast %jit3A_465 : i32 to vector<128xi32>
    %select_n3A_467 = arith.select %lt3A_449, %reduce_sum3A_464, %broadcast_in_dim3A_466 : vector<128xi1>, vector<128xi32>
    %broadcast_in_dim3A_468 = vector.shape_cast %select_n3A_467 : vector<128xi32> to vector<1x128xi32>
    %not3A_469 = arith.constant dense<true> : vector<288x128xi1>
    %not3A_470 = arith.xori %eq3A_446, %not3A_469 : vector<288x128xi1>
    %and3A_471 = arith.andi %and3A_438, %not3A_470 : vector<288x128xi1>
    %jit3A_472 = arith.constant 1073741824 : i32
    %broadcast_in_dim3A_473 = vector.broadcast %jit3A_472 : i32 to vector<288x128xi32>
    %select_n3A_474 = arith.select %and3A_471, %iota3A, %broadcast_in_dim3A_473 : vector<288x128xi1>, vector<288x128xi32>
    %reduce_min3A_475 = arith.constant dense<2147483647> : vector<128xi32>
    %reduce_min3A_476 = vector.multi_reduction <minsi>, %select_n3A_474, %reduce_min3A_475 [0] : vector<288x128xi32> to vector<128xi32>
    %broadcast_in_dim3A_477 = vector.shape_cast %reduce_min3A_476 : vector<128xi32> to vector<1x128xi32>
    %eq3A_478 = vector.broadcast %broadcast_in_dim3A_477 : vector<1x128xi32> to vector<288x128xi32>
    %eq3A_479 = arith.cmpi eq, %iota3A, %eq3A_478 : vector<288x128xi32>
    %lt3A_480 = arith.constant 1073741824 : i32
    %lt3A_481 = vector.broadcast %lt3A_480 : i32 to vector<128xi32>
    %lt3A_482 = arith.cmpi slt, %reduce_min3A_476, %lt3A_481 : vector<128xi32>
    %jit3A_483 = arith.constant 0.000000e+00 : f32
    %broadcast_in_dim3A_484 = vector.broadcast %jit3A_483 : f32 to vector<288x128xf32>
    %select_n3A_485 = arith.select %eq3A_479, %logistic3A_8, %broadcast_in_dim3A_484 : vector<288x128xi1>, vector<288x128xf32>
    %reduce_sum3A_486 = arith.constant dense<0.000000e+00> : vector<128xf32>
    %reduce_sum3A_487 = vector.multi_reduction <add>, %select_n3A_485, %reduce_sum3A_486 [0] : vector<288x128xf32> to vector<128xf32>
    %jit3A_488 = arith.constant -1.000000e+00 : f32
    %broadcast_in_dim3A_489 = vector.broadcast %jit3A_488 : f32 to vector<128xf32>
    %select_n3A_490 = arith.select %lt3A_482, %reduce_sum3A_487, %broadcast_in_dim3A_489 : vector<128xi1>, vector<128xf32>
    %broadcast_in_dim3A_491 = vector.shape_cast %select_n3A_490 : vector<128xf32> to vector<1x128xf32>
    %and3A_492 = arith.andi %eq3A_479, %and3A_471 : vector<288x128xi1>
    %jit3A_493 = arith.constant 0 : i32
    %broadcast_in_dim3A_494 = vector.broadcast %jit3A_493 : i32 to vector<288x128xi32>
    %select_n3A_495 = arith.select %and3A_492, %add3A, %broadcast_in_dim3A_494 : vector<288x128xi1>, vector<288x128xi32>
    %reduce_sum3A_496 = arith.constant dense<0> : vector<128xi32>
    %reduce_sum3A_497 = vector.multi_reduction <add>, %select_n3A_495, %reduce_sum3A_496 [0] : vector<288x128xi32> to vector<128xi32>
    %jit3A_498 = arith.constant 1073741824 : i32
    %broadcast_in_dim3A_499 = vector.broadcast %jit3A_498 : i32 to vector<128xi32>
    %select_n3A_500 = arith.select %lt3A_482, %reduce_sum3A_497, %broadcast_in_dim3A_499 : vector<128xi1>, vector<128xi32>
    %broadcast_in_dim3A_501 = vector.shape_cast %select_n3A_500 : vector<128xi32> to vector<1x128xi32>
    %not3A_502 = arith.constant dense<true> : vector<288x128xi1>
    %not3A_503 = arith.xori %eq3A_479, %not3A_502 : vector<288x128xi1>
    %and3A_504 = arith.andi %and3A_471, %not3A_503 : vector<288x128xi1>
    %jit3A_505 = arith.constant 1073741824 : i32
    %broadcast_in_dim3A_506 = vector.broadcast %jit3A_505 : i32 to vector<288x128xi32>
    %select_n3A_507 = arith.select %and3A_504, %iota3A, %broadcast_in_dim3A_506 : vector<288x128xi1>, vector<288x128xi32>
    %reduce_min3A_508 = arith.constant dense<2147483647> : vector<128xi32>
    %reduce_min3A_509 = vector.multi_reduction <minsi>, %select_n3A_507, %reduce_min3A_508 [0] : vector<288x128xi32> to vector<128xi32>
    %broadcast_in_dim3A_510 = vector.shape_cast %reduce_min3A_509 : vector<128xi32> to vector<1x128xi32>
    %eq3A_511 = vector.broadcast %broadcast_in_dim3A_510 : vector<1x128xi32> to vector<288x128xi32>
    %eq3A_512 = arith.cmpi eq, %iota3A, %eq3A_511 : vector<288x128xi32>
    %lt3A_513 = arith.constant 1073741824 : i32
    %lt3A_514 = vector.broadcast %lt3A_513 : i32 to vector<128xi32>
    %lt3A_515 = arith.cmpi slt, %reduce_min3A_509, %lt3A_514 : vector<128xi32>
    %jit3A_516 = arith.constant 0.000000e+00 : f32
    %broadcast_in_dim3A_517 = vector.broadcast %jit3A_516 : f32 to vector<288x128xf32>
    %select_n3A_518 = arith.select %eq3A_512, %logistic3A_8, %broadcast_in_dim3A_517 : vector<288x128xi1>, vector<288x128xf32>
    %reduce_sum3A_519 = arith.constant dense<0.000000e+00> : vector<128xf32>
    %reduce_sum3A_520 = vector.multi_reduction <add>, %select_n3A_518, %reduce_sum3A_519 [0] : vector<288x128xf32> to vector<128xf32>
    %jit3A_521 = arith.constant -1.000000e+00 : f32
    %broadcast_in_dim3A_522 = vector.broadcast %jit3A_521 : f32 to vector<128xf32>
    %select_n3A_523 = arith.select %lt3A_515, %reduce_sum3A_520, %broadcast_in_dim3A_522 : vector<128xi1>, vector<128xf32>
    %broadcast_in_dim3A_524 = vector.shape_cast %select_n3A_523 : vector<128xf32> to vector<1x128xf32>
    %and3A_525 = arith.andi %eq3A_512, %and3A_504 : vector<288x128xi1>
    %jit3A_526 = arith.constant 0 : i32
    %broadcast_in_dim3A_527 = vector.broadcast %jit3A_526 : i32 to vector<288x128xi32>
    %select_n3A_528 = arith.select %and3A_525, %add3A, %broadcast_in_dim3A_527 : vector<288x128xi1>, vector<288x128xi32>
    %reduce_sum3A_529 = arith.constant dense<0> : vector<128xi32>
    %reduce_sum3A_530 = vector.multi_reduction <add>, %select_n3A_528, %reduce_sum3A_529 [0] : vector<288x128xi32> to vector<128xi32>
    %jit3A_531 = arith.constant 1073741824 : i32
    %broadcast_in_dim3A_532 = vector.broadcast %jit3A_531 : i32 to vector<128xi32>
    %select_n3A_533 = arith.select %lt3A_515, %reduce_sum3A_530, %broadcast_in_dim3A_532 : vector<128xi1>, vector<128xi32>
    %broadcast_in_dim3A_534 = vector.shape_cast %select_n3A_533 : vector<128xi32> to vector<1x128xi32>
    %concatenate3A = tpu.concatenate %broadcast_in_dim3A_31, %broadcast_in_dim3A_62, %broadcast_in_dim3A_95, %broadcast_in_dim3A_128, %broadcast_in_dim3A_161, %broadcast_in_dim3A_194, %broadcast_in_dim3A_227, %broadcast_in_dim3A_260, %broadcast_in_dim3A_293, %broadcast_in_dim3A_326, %broadcast_in_dim3A_359, %broadcast_in_dim3A_392, %broadcast_in_dim3A_425, %broadcast_in_dim3A_458, %broadcast_in_dim3A_491, %broadcast_in_dim3A_524 in 0 : vector<1x128xf32>, vector<1x128xf32>, vector<1x128xf32>, vector<1x128xf32>, vector<1x128xf32>, vector<1x128xf32>, vector<1x128xf32>, vector<1x128xf32>, vector<1x128xf32>, vector<1x128xf32>, vector<1x128xf32>, vector<1x128xf32>, vector<1x128xf32>, vector<1x128xf32>, vector<1x128xf32>, vector<1x128xf32> -> vector<16x128xf32>
    %concatenate3A_535 = tpu.concatenate %broadcast_in_dim3A_40, %broadcast_in_dim3A_72, %broadcast_in_dim3A_105, %broadcast_in_dim3A_138, %broadcast_in_dim3A_171, %broadcast_in_dim3A_204, %broadcast_in_dim3A_237, %broadcast_in_dim3A_270, %broadcast_in_dim3A_303, %broadcast_in_dim3A_336, %broadcast_in_dim3A_369, %broadcast_in_dim3A_402, %broadcast_in_dim3A_435, %broadcast_in_dim3A_468, %broadcast_in_dim3A_501, %broadcast_in_dim3A_534 in 0 : vector<1x128xi32>, vector<1x128xi32>, vector<1x128xi32>, vector<1x128xi32>, vector<1x128xi32>, vector<1x128xi32>, vector<1x128xi32>, vector<1x128xi32>, vector<1x128xi32>, vector<1x128xi32>, vector<1x128xi32>, vector<1x128xi32>, vector<1x128xi32>, vector<1x128xi32>, vector<1x128xi32>, vector<1x128xi32> -> vector<16x128xi32>
    %iota3A_536 = tpu.iota {dimensions = array<i32: 1>} : vector<1x512xi32>
    %broadcast_in_dim3A_537 = arith.constant 0 : i32
    %broadcast_in_dim3A_538 = vector.broadcast %broadcast_in_dim3A_537 : i32 to vector<1x512xi32>
    %scan3A_539 = arith.constant 1073741824 : i32
    %scan3A_540 = arith.constant 0 : i32
    %scan3A_541 = arith.constant 300 : i32
    %scan3A_542 = arith.addi %scan3A_540, %scan3A_541 : i32
    %scan3A_543 = arith.constant 1 : i32
    %scan3A_544:2 = scf.for %scan3A_555 = %scan3A_540 to %scan3A_542 step %scan3A_543 iter_args(%scan3A_556 = %concatenate3A, %scan3A_557 = %broadcast_in_dim3A_538) -> (vector<16x128xf32>, vector<1x512xi32>)  : i32 {
      %reduce_max3A = vector.shape_cast %scan3A_556 : vector<16x128xf32> to vector<1x16x128xf32>
      %reduce_max3A_558 = arith.constant dense<0xFF800000> : vector<1xf32>
      %reduce_max3A_559 = vector.multi_reduction <maximumf>, %reduce_max3A, %reduce_max3A_558 [1, 2] : vector<1x16x128xf32> to vector<1xf32>
      %reduce_max3A_560 = vector.shape_cast %reduce_max3A_559 : vector<1xf32> to vector<1x1x1xf32>
      %reduce_max3A_561 = vector.extract %reduce_max3A_560[0, 0, 0] : f32 from vector<1x1x1xf32>
      %eq3A_562 = vector.broadcast %reduce_max3A_561 : f32 to vector<16x128xf32>
      %eq3A_563 = arith.cmpf oeq, %scan3A_556, %eq3A_562 : vector<16x128xf32>
      %broadcast_in_dim3A_564 = vector.broadcast %scan3A_539 : i32 to vector<16x128xi32>
      %select_n3A_565 = arith.select %eq3A_563, %concatenate3A_535, %broadcast_in_dim3A_564 : vector<16x128xi1>, vector<16x128xi32>
      %reduce_min3A_566 = vector.shape_cast %select_n3A_565 : vector<16x128xi32> to vector<1x16x128xi32>
      %reduce_min3A_567 = arith.constant dense<2147483647> : vector<1xi32>
      %reduce_min3A_568 = vector.multi_reduction <minsi>, %reduce_min3A_566, %reduce_min3A_567 [1, 2] : vector<1x16x128xi32> to vector<1xi32>
      %reduce_min3A_569 = vector.shape_cast %reduce_min3A_568 : vector<1xi32> to vector<1x1x1xi32>
      %reduce_min3A_570 = vector.extract %reduce_min3A_569[0, 0, 0] : i32 from vector<1x1x1xi32>
      %eq3A_571 = vector.broadcast %scan3A_555 : i32 to vector<1x512xi32>
      %eq3A_572 = arith.cmpi eq, %iota3A_536, %eq3A_571 : vector<1x512xi32>
      %broadcast_in_dim3A_573 = vector.broadcast %reduce_min3A_570 : i32 to vector<1x512xi32>
      %select_n3A_574 = arith.select %eq3A_572, %broadcast_in_dim3A_573, %scan3A_557 : vector<1x512xi1>, vector<1x512xi32>
      %eq3A_575 = vector.broadcast %reduce_min3A_570 : i32 to vector<16x128xi32>
      %eq3A_576 = arith.cmpi eq, %concatenate3A_535, %eq3A_575 : vector<16x128xi32>
      %jit3A_577 = arith.constant -1.000000e+00 : f32
      %broadcast_in_dim3A_578 = vector.broadcast %jit3A_577 : f32 to vector<16x128xf32>
      %select_n3A_579 = arith.select %eq3A_576, %broadcast_in_dim3A_578, %scan3A_556 : vector<16x128xi1>, vector<16x128xf32>
      scf.yield %select_n3A_579, %select_n3A_574 : vector<16x128xf32>, vector<1x512xi32>
    }
    %scan3A_545 = arith.constant 300 : i32
    %mul3A_546 = arith.constant 36864 : i32
    %mul3A_547 = arith.muli %arg0, %mul3A_546 : i32
    %add3A_548 = vector.broadcast %mul3A_547 : i32 to vector<1x512xi32>
    %add3A_549 = arith.addi %scan3A_544#1, %add3A_548 : vector<1x512xi32>
    %swap3A = arith.constant 0 : index
    %swap3A_550 = arith.constant 0 : index
    %swap3A_551 = arith.constant 0 : index
    %swap3A_552 = vector.load %arg2[%swap3A, %swap3A_550, %swap3A_551] : memref<1x1x512xi32, #tpu.memory_space<vmem>>, vector<1x1x512xi32>
    %swap3A_553 = vector.shape_cast %swap3A_552 : vector<1x1x512xi32> to vector<1x512xi32>
    %swap3A_554 = vector.shape_cast %add3A_549 : vector<1x512xi32> to vector<1x1x512xi32>
    tpu.vector_store %arg2[%swap3A, %swap3A_550, %swap3A_551], %swap3A_554 {strides = array<i32>} : memref<1x1x512xi32, #tpu.memory_space<vmem>>, vector<1x1x512xi32>,
    return
  }
  func.func @transform_0(%arg0: i32) -> (i32, i32, i32) {
    %c0_i32 = arith.constant 0 : i32
    %c0_i32_0 = arith.constant 0 : i32
    %c0_i32_1 = arith.constant 0 : i32
    return %arg0, %c0_i32, %c0_i32_0 : i32, i32, i32
  }
  func.func @transform_1(%arg0: i32) -> (i32, i32, i32) {
    %c0_i32 = arith.constant 0 : i32
    %c0_i32_0 = arith.constant 0 : i32
    %c0_i32_1 = arith.constant 0 : i32
    return %arg0, %c0_i32, %c0_i32_0 : i32, i32, i32
  }
}

</mosaic_0001>

<sc_bundles>
// kernel: sparse-core-data-format-call.cloned.1.call-start
scs
called_computation_lowered:
.L_overlay_start_0:
0x0: {  	s1 =	sld [smem:$0x3FD9]  }
0x1: {  	s2 =	sld [smem:$0x3FFE];
	_ =	sdelay $0x1  }
0x2: {  	s3 =	srdreg.scid  }
0x3: {  	s0 =	sand.u32 $0x1, s3  }
0x4: {  	s17 =	sshll.u32 s0, $0xA;
	s1 =	sadd.s32 s2, s1  }
0x5: {  	s1 =	sadd.s32 s1, s17  }
0x6: {  	[smem:$0x3FC3] =	sst s1  }
0x7: {  	_ = 	snop  }
0x8: {  	(tm) =	ssettm $0x1  }
0x9: {  	s18 =	sld [smem:$0x3FFB];
	_ =	sdelay $0x3  }
0xa: {  	_ =	strace s18  }
0xb: {  	s1 =	sld [smem:$0x3FFC];
	_ =	sdelay $0x3  }
0xc: {  	_ =	strace s1  }
0xd: {  	s1 =	sld [smem:$0x3FFD];
	_ =	sdelay $0x3  }
0xe: {  	_ =	strace s1  }
0xf: {  	_ =	strace $0x8FFFFFFF  }
0x10: {  	s19 =	sld [smem:$0x3FDB];
	_ =	sdelay $0x1  }
0x11: {  	s20 =	simm.s32 $_scs_section_size  }
0x12: {  	s4 =	simm.s32 $_size__tile_overlayer_lowered;
	s5 =	simm.s32 $_tile_overlayer_lowered  }
0x13: {  	s23 =	simm.s32 $0x1BFF;
	s22 =	sshll.u32 s5, $0x1;
	s1 =	sadd.s32 s20, s19  }
0x14: {  	s6 =	simm.s32 $0x0;
	s21 =	sshll.u32 s4, $0x1;
	s4 =	sadd.s32 s22, s1  }
0x15: {  	[timem:s6], [sflag:s23] =	dma.local [hbm:s4], s21  }
0x16: {  	_ =	swait.ge [sflag:s23], s21  }
0x17: {  	s2 =	ssub.s32 $0x0, s21;
	[sflag:s23] =	ssyncset.done $0x0  }
0x18: {  	[sflag:s23] =	ssyncadd.s32 s2;
	_ =	sdelay $0x1  }
0x19: {  	s24 =	simm.s32 $0x1B8B  }
0x1a: {  	_ =	swait.ge [sflag:s24], $0x1  }
0x1b: {  	[sflag:s24] =	ssyncset.done $0x0  }
0x1c: {  	s26 =	simm.s32 $0x1B8E;
	s25 =	sld [smem:$0x3FFE];
	[sflag:s24] =	ssyncadd.s32 $0xFFFFFFFF  }
0x1d: {  	s27 =	simm.s32 $execute0_lowered;
	[smem:$0x3FD2] =	sst s26  }
0x1e: {  	s4 =	sshll.u32 s27, $0x1;
	_ =	strace $0x80000046;
	[dreg:$0x1] =	wrdreg $0xFFFFFFFF  }
0x1f: {  	s28 =	simm.s32 $_size_execute0_lowered;
	s1 =	sadd.s32 s1, s4;
	[dreg:$0x0] =	wrdreg $0x0  }
0x20: {  	s4 =	sshll.u32 s28, $0x1;
	[dreg:$0x2] =	wrdreg s1  }
0x21: {  	[dreg:$0x3] =	wrdreg s4  }
0x22: {  	[dreg:$0x4] =	wrdreg $0xC0  }
0x23: {  	_ =	task [dreg:s6], $0x5FFFF  }
0x24: {  	[dreg:$0x1] =	wrdreg $0xFFFFFFFF  }
0x25: {  	[dreg:$0x0] =	wrdreg $0x60  }
0x26: {  	[dreg:$0x2] =	wrdreg s25  }
0x27: {  	[dreg:$0x3] =	wrdreg $0x9  }
0x28: {  	_ =	task.clear_ibuf [dreg:s6], $0x4FFFF;
	_ =	strace $0x90000046  }
0x29: {  	s29 =	simm.s32 $0x9;
	_ =	strace $0x80000048  }
0x2a: {  	_ =	swait.ge [sflag:s29], $0x1  }
0x2b: {  	[sflag:s29] =	ssyncadd.s32 $0xFFFFFFFF  }
0x2c: {  	_ =	strace $0x90000048  }
0x2d: {  	_ =	sfence  }
0x2e: {  	s30 =	sld [smem:$0x0];
	_ =	sdelay $0x2  }
0x2f: {  	s31 =	sshll.u32 s3, $0xD;
	s3 =	sshrl.u32 s3, $0x2  }
0x30: {  	s2 =	sand.u32 $0x4000, s31;
	s1 =	sadd.s32 s3, s30  }
0x31: {  	s0 =	sor.u32 s2, s0;
	s1 =	sshll.u32 s1, $0x11  }
0x32: {  	s0 =	sor.u32 s1, s0  }
0x33: {  	s0 =	sadd.s32 $0x8F2B, s0  }
0x34: {  	[sflag:s0] =	ssyncadd.remote.s32 $0x1  }
0x35: {  	_ =	sfence.sel $0xFFFF  }
0x36: {  	[dreg:$0x0] =	wrdreg $0xFFFFFFFF;
	(pc) =	sbr.abs _section_cstart, $3  }
0x37: {  	[dreg:$0x1] =	wrdreg $0xFFFFFFFF  }
0x38: {  	_ =	task.clear_ibuf [dreg:s6], $0x2FFFF;
	_ =	strace $0x9FFFFFFF  }
0x39: {  	(tm) =	ssettm $0x7FFFFFFF  }
tec
execute0_lowered:
.L_overlay_start_1:
0x0: {  	(tag) =	ssettag $0x1  }
0x1: {  	s2 =	stileid.u32  }
0x2: {  	s0 =	srdreg.scid;
	s11 =	rddreg [dreg:$0x0];
	_ =	strace $0x80000047  }
0x3: {  	s5 =	simm.s32 $0x1;
	s8 =	simm.s32 $0x2;
	s22 =	simm.s32 $0x0  }
0x4: {  	s13 =	simm.s32 $0x300;
	s19 =	simm.s32 $0x0;
	s18 =	simm.s32 $0x0  }
0x5: {  	s20 =	simm.s32 $0x0;
	s0 =	sshll.u32 s0, $0x4;
	s1 =	sshll.u32 s2, $0x3  }
0x6: {  	s21 =	simm.s32 $0x0;
	s0 =	sand.u32 $0x10, s0;
	s1 =	sand.u32 $0x38, s1  }
0x7: {  	s14 =	simm.s32 $0x0;
	s0 =	sor.u32 s2, s0;
	s28 =	sshrl.u32 s1, $0x3  }
0x8: {  	s15 =	simm.s32 $0x0;
	s2 =	smul.u32 $0xC00, s28;
	s3 =	sshll.u32 s0, $0x7  }
0x9: {  	s16 =	simm.s32 $0x0;
	s17 =	simm.s32 $0x0;
	s3 =	sand.u32 $0xC00, s3  }
0xa: {  	[sflag:s5] =	ssyncpa.u1 $0x0;
	s9 =	sadd.s32 $0x253000, s11;
	s2 =	sadd.s32 s2, s3  }
0xb: {  	s10 =	sadd.s32 $0x2B6000, s11;
	s7 =	ssub.s32 $0x40, s1;
	s3 =	smul.u32 $0xAAAB, s2  }
0xc: {  	[sflag:s8] =	ssyncpa.u1 $0x0;
	s0 =	sshll.u32 s0, $0x4;
	s29 =	sand.u32 $0x38, s7  }
0xd: {  	s7 =	sshrl.u32 s7, $0x6;
	s4 =	sand.u32 $0x180, s0;
	s6 =	sshrl.u32 s3, $0x18  }
0xe: {  	p0 =	sne.s32 s29, $0x0;
	s0 =	simm.s32 $0x1;
	s3 =	smul.u32 $0x180, s6  }
0xf: {  	s0 =	simm.s32 @!p0 $0x0;
	s31 =	smax.u32 s4, $0x100;
	s6 =	sand.u32 $0x3F, s6  }
0x10: {  	p0 =	seq.s32 s4, $0x180;
	s30 =	smul.u32 $0x18, s6;
	s2 =	ssub.s32 s2, s3  }
.Ltmp0:
0x11: {  	s0 =	sadd.s32 s0, s7;
	s2 =	sand.u32 $0xFF80, s2;
	(pc) =	sbr.rel .LBB1_1-.Ltmp0, $4  }
0x12: {  	s6 =	smul.u32 $0x42, s0;
	s0 =	sshll.u32 s31, $0x3;
	s2 =	sshrl.u32 s2, $0x4  }
0x13: {  	s3 =	sadd.s32 $0x1F0000, s11;
	s7 =	sxor.u32 $0xC00, s0;
	s2 =	sadd.s32 s2, s11  }
0x14: {  	s6 =	simm.s32 @p0 $0x0;
	p0 =	por $0x0, $0x0;
	s2 =	sadd.s32 s30, s2  }
0x15: {  	s12 =	sor.u32 $0x1, s6;
	s11 =	sadd.s32 $0x319000, s11;
	s8 =	sadd.s32 $0xC7000, s2  }
.LBB1_9:
0x16: {  	s0 =	sadd.s32 $0x1, s14  }
0x17: {  	s2 =	sadd.s32 $0x4, s15;
	s23 =	smov.u32 s15;
	p2 =	sgt.s32 s0, $0x41  }
0x18: {  	s23 =	smov.u32 @p2 s2  }
0x19: {  	s18 =	sadd.s32 $0x4, s16;
	s24 =	smov.u32 s16;
	p3 =	sgt.s32 s23, $0x3  }
0x1a: {  	p1 =	slt.u32 s17, $0x2;
	s24 =	smov.u32 @p3 s18  }
0x1b: {  	s25 =	sadd.s32 $0x1, s17;
	s0 =	simm.s32 @p2 $0x0;
	p2 =	sgt.s32 s24, $0x2  }
0x1c: {  	s20 =	smov.u32 s15;
	s24 =	simm.s32 @p2 $0x0;
	p2 =	sne.s32 s17, s12  }
.Ltmp1:
0x1d: {  	s21 =	smov.u32 s16;
	s2 =	simm.s32 @!p1 $0x2;
	(pc) =	sbr.rel @!p2 .LBB1_10-.Ltmp1, $4  }
0x1e: {  	p0 =	por !p0, !p0;
	s22 =	smov.u32 s4;
	_ =	swait.ge @!p1 [sflag:s2], $0x2000  }
0x1f: {  	s19 =	smov.u32 s1;
	[sflag:s2] =	ssyncset.done @!p1 $0x0;
	s23 =	simm.s32 @p3 $0x0  }
0x20: {  	s18 =	smov.u32 s14;
	s14 =	smov.u32 s0;
	[sflag:s2] =	ssyncadd.s32 @!p1 $0xFFFFE000  }
0x21: {  	s15 =	smov.u32 s23;
	s17 =	smov.u32 s25;
	s16 =	smov.u32 s24  }
.LBB1_1:
0x22: {  	p1 =	sge.u32 s17, s6  }
0x23: {  	s0 =	ssub.s32 @!p1 $0x0, s15  }
0x24: {  	s0 =	smin.u32 @!p1 s15, s0  }
0x25: {  	s2 =	sshra.s32 @!p1 s16, $0x1F;
	s24 =	sshra.s32 @!p1 s14, $0x1F;
	p2 =	sgt.s32 @!p1 s0, $0x3  }
0x26: {  	s23 =	sor.u32 @!p1 s2, s16;
	s0 =	ssub.s32 @!p1 $0x4, s0;
	p2 =	por !p2, p1  }
0x27: {  	s2 =	sand.u32 @!p1 s2, s16;
	s0 =	simm.s32 @!p2 $0x0;
	p2 =	sgt.s32 @!p1 s14, $0x41  }
0x28: {  	s2 =	ssub.s32 @!p1 s23, s2;
	s23 =	smov.u32 s14;
	p2 =	por !p2, p1  }
0x29: {  	s24 =	sand.u32 @!p1 s24, s14;
	s25 =	sadd.s32 @!p1 $0x1, s2;
	s23 =	simm.s32 @p2 $0x41  }
0x2a: {  	s2 =	ssub.s32 @!p1 $0x3, s2;
	p2 =	sgt.s32 @!p1 s25, $0x3;
	s23 =	ssub.s32 @!p1 s23, s24  }
0x2b: {  	s0 =	smul.u32 @!p1 s0, s7;
	p2 =	por !p2, p1;
	s24 =	sadd.s32 @!p1 $0xFFFFFFBF, s23  }
0x2c: {  	s2 =	simm.s32 @!p2 $0x0;
	p2 =	sgt.s32 @!p1 s24, $0x0  }
0x2d: {  	s23 =	ssub.s32 @!p1 $0x42, s23;
	s0 =	smul.u32 @!p1 s2, s0;
	p2 =	por !p2, p1  }
0x2e: {  	s2 =	smul.u32 @!p1 $0x63000, s16;
	s23 =	simm.s32 @!p2 $0x0  }
0x2f: {  	s0 =	smul.u32 @!p1 s23, s0  }
0x30: {  	s23 =	smul.u32 @!p1 $0x18C00, s15  }
0x31: {  	s31 =	sadd.s32 $0xFFFFFFFF, s17;
	s25 =	sxor.u32 @!p1 $0xFFFFFFFF, s17;
	s2 =	sadd.s32 @!p1 s2, s8  }
0x32: {  	s24 =	smul.u32 @!p1 $0x600, s14;
	s0 =	sshrl.u32 @!p1 s0, $0x1;
	s2 =	sadd.s32 @!p1 s23, s2  }
0x33: {  	s23 =	sshll.u32 @!p1 s25, $0xD;
	s25 =	simm.s32 @!p1 $0xC6000;
	s0 =	sand.u32 @!p1 $0x3FFFFE00, s0  }
0x34: {  	s2 =	sadd.s32 @!p1 s24, s2;
	s23 =	sand.u32 @!p1 $0x2000, s23;
	s24 =	simm.s32 @!p1 $0x200  }
0x35: {  	[tilespmem:s23], [sflag:$0x1] =	stream.strided.gather @!p1 [hbm4b:s2+s24], s0, s25, s24, $0x38;
	[tilespmem:$0x8000] =	vst v63  }
0x36: {  	p1 =	sge.u32 s31, s6  }
.Ltmp2:
0x37: {  	_ = 	snop;
	(pc) =	sbr.rel @p1 .LBB1_9-.Ltmp2, $1  }
0x38: {  	_ =	sdelay $0x3  }
0x39: {  	s0 =	sshra.s32 s21, $0x1F  }
0x3a: {  	s2 =	sor.u32 s0, s21;
	s0 =	sand.u32 s0, s21  }
0x3b: {  	s26 =	ssub.s32 $0x0, s20;
	p2 =	sgt.s32 s18, $0x41;
	s0 =	ssub.s32 s2, s0  }
0x3c: {  	s23 =	smov.u32 s18;
	s24 =	sshra.s32 s18, $0x1F;
	s2 =	sadd.s32 $0x1, s0  }
0x3d: {  	s0 =	ssub.s32 $0x3, s0;
	p1 =	sgt.s32 s2, $0x3;
	s2 =	smin.u32 s20, s26  }
0x3e: {  	s0 =	simm.s32 @p1 $0x0;
	p1 =	sgt.s32 s2, $0x3;
	s2 =	sshll.u32 s2, $0x3  }
0x3f: {  	s25 =	smov.u32 s22;
	s23 =	simm.s32 @!p2 $0x41;
	s2 =	ssub.s32 $0x20, s2  }
0x40: {  	s24 =	sand.u32 s24, s18;
	p2 =	sgt.s32 s22, $0x100;
	s2 =	simm.s32 @p1 $0x0  }
0x41: {  	s23 =	ssub.s32 s23, s24;
	s25 =	simm.s32 @!p2 $0x100;
	s0 =	smul.u32 s0, s2  }
0x42: {  	s27 =	sadd.s32 $0xFFFFFFBF, s23;
	s28 =	ssub.s32 $0x180, s25  }
0x43: {  	p1 =	sgt.s32 s27, $0x0;
	s2 =	ssub.s32 $0x42, s23;
	s0 =	smul.u32 s28, s0  }
0x44: {  	s2 =	simm.s32 @p1 $0x0  }
0x45: {  	s0 =	smul.u32 s2, s0  }
0x46: {  	s30 =	sshll.u32 s17, $0xD;
	s2 =	simm.s32 $0x1  }
0x47: {  	p2 =	por $0x1, $0x1;
	s2 =	simm.s32 @!p0 $0x0;
	s0 =	sshrl.u32 s0, $0x1  }
0x48: {  	s23 =	sand.u32 $0x2000, s30;
	s2 =	sshll.u32 s2, $0xF;
	s0 =	sand.u32 $0x3FFFFFFC, s0  }
0x49: {  	s24 =	sor.u32 $0x4000, s23;
	s31 =	sshrl.u32 s2, $0x2;
	_ =	swait.ge [sflag:s5], s0  }
0x4a: {  	s29 =	ssub.s32 $0x0, s0;
	s25 =	sadd.s32 $0x800, s31;
	[sflag:s5] =	ssyncset.done $0x0  }
0x4b: {  	s26 =	sadd.s32 $0x4100, s31;
	s0 =	simm.s32 $0x0;
	[sflag:s5] =	ssyncadd.s32 s29  }
.LBB1_3:
0x4c: {  	s2 =	sshll.u32 s0, $0xB;
	s31 =	sshll.u32 s0, $0x6  }
0x4d: {  	p1 =	por p2, p2;
	s2 =	sand.u32 $0x3FFFF800, s2;
	s0 =	sand.u32 $0x3FFFFFC0, s31  }
0x4e: {  	s29 =	simm.s32 $0x0;
	s27 =	sadd.s32 s2, s25;
	s28 =	sadd.s32 s0, s26  }
.LBB1_4:
0x4f: {  	v0 =	vld [tilespmem:s27+$0xFFFFF870]  }
0x50: {  	v1 =	vld [tilespmem:s27+$0x70]  }
0x51: {  	v2 =	vld [tilespmem:s27+$0x0]  }
0x52: {  	v3 =	vld [tilespmem:s27+$0xFFFFF810]  }
0x53: {  	v4 =	vld [tilespmem:s27+$0x10]  }
0x54: {  	v5 =	vld [tilespmem:s27+$0xFFFFF820]  }
0x55: {  	v7 =	vld [tilespmem:s27+$0x20]  }
0x56: {  	v11 =	vld [tilespmem:s27+$0x30];
	v6 =	vunpack.i.l.s16.s32 v0;
	v8 =	vunpack.i.u.s16.s32 v0;
	v9 =	vunpack.i.u.s16.s32 v1  }
0x57: {  	v10 =	vunpack.i.l.s16.s32 v1;
	v0 =	vunpack.i.u.s16.s32 v2;
	v1 =	vunpack.i.l.s16.s32 v2;
	v2 =	vld [tilespmem:s27+$0xFFFFF830]  }
0x58: {  	v8 =	vpack.i.b32.b16 v9, v8;
	v9 =	vunpack.i.u.s16.s32 v3;
	v3 =	vunpack.i.l.s16.s32 v3  }
0x59: {  	v12 =	vld [tilespmem:s27+$0xFFFFF840];
	v6 =	vpack.i.b32.b16 v10, v6;
	[tilespmem:s28+$0x70] =	vst v8;
	v8 =	vunpack.i.u.s16.s32 v4;
	v4 =	vunpack.i.l.s16.s32 v4  }
0x5a: {  	v13 =	vld [tilespmem:s27+$0x40];
	v10 =	vunpack.i.u.s16.s32 v5;
	v5 =	vunpack.i.l.s16.s32 v5;
	[tilespmem:s28+$0xFFFFFF70] =	vst v6;
	v3 =	vpack.i.b32.b16 v4, v3  }
0x5b: {  	v6 =	vunpack.i.l.s16.s32 v7;
	v4 =	vld [tilespmem:s27+$0xFFFFF850];
	[tilespmem:s28+$0xFFFFFF10] =	vst v3;
	v3 =	vpack.i.b32.b16 v8, v9;
	v8 =	vunpack.i.u.s16.s32 v7  }
0x5c: {  	v7 =	vunpack.i.l.s16.s32 v11;
	[tilespmem:s28+$0x10] =	vst v3;
	v3 =	vpack.i.b32.b16 v6, v5;
	v9 =	vunpack.i.u.s16.s32 v2;
	v6 =	vld [tilespmem:s27+$0x50]  }
0x5d: {  	v5 =	vunpack.i.l.s16.s32 v2;
	v2 =	vld [tilespmem:s27+$0xFFFFF860];
	[tilespmem:s28+$0xFFFFFF20] =	vst v3;
	v3 =	vpack.i.b32.b16 v8, v10;
	v10 =	vunpack.i.u.s16.s32 v11  }
0x5e: {  	s2 =	simm.s32 $0x0;
	v11 =	vpack.i.b32.b16 v7, v5;
	v7 =	vunpack.i.u.s16.s32 v12;
	v8 =	vunpack.i.l.s16.s32 v12;
	[tilespmem:s28+$0x20] =	vst v3;
	v3 =	vld [tilespmem:s27+$0x60]  }
0x5f: {  	s0 =	sadd.s32 $0x80, s27;
	s31 =	smov.u32 s28;
	s30 =	smov.u32 s28;
	v5 =	vld [tilespmem:s27+$0xFFFFF800];
	[tilespmem:s28+$0xFFFFFF30] =	vst v11;
	v10 =	vpack.i.b32.b16 v10, v9;
	v9 =	vunpack.i.u.s16.s32 v13;
	v11 =	vunpack.i.l.s16.s32 v13  }
.LBB1_5:
0x60: {  	v12 =	vld [tilespmem:s0+$0xFFFFF870];
	[tilespmem:s31+$0x30] =	vst v10;
	v8 =	vpack.i.b32.b16 v11, v8;
	v10 =	vunpack.i.u.s16.s32 v4;
	v4 =	vunpack.i.l.s16.s32 v4  }
0x61: {  	s2 =	sadd.s32 $0x2, s2;
	v7 =	vpack.i.b32.b16 v9, v7;
	v11 =	vld [tilespmem:s0+$0x70];
	[tilespmem:s31+$0xFFFFFF40] =	vst v8;
	v8 =	vunpack.i.u.s16.s32 v6;
	v6 =	vunpack.i.l.s16.s32 v6  }
0x62: {  	p2 =	slt.u32 s2, $0x6;
	v9 =	vld [tilespmem:s0+$0x0];
	[tilespmem:s31+$0x40] =	vst v7;
	v4 =	vpack.i.b32.b16 v6, v4;
	v6 =	vunpack.i.u.s16.s32 v2;
	v2 =	vunpack.i.l.s16.s32 v2  }
0x63: {  	v7 =	vld [tilespmem:s0+$0xFFFFF810];
	[tilespmem:s31+$0xFFFFFF50] =	vst v4;
	v4 =	vpack.i.b32.b16 v8, v10;
	v8 =	vunpack.i.u.s16.s32 v3;
	v3 =	vunpack.i.l.s16.s32 v3  }
0x64: {  	v10 =	vld [tilespmem:s0+$0x10];
	v13 =	vunpack.i.u.s16.s32 v5;
	v5 =	vunpack.i.l.s16.s32 v5;
	[tilespmem:s31+$0x50] =	vst v4;
	v2 =	vpack.i.b32.b16 v3, v2  }
0x65: {  	v3 =	vld [tilespmem:s0+$0xFFFFF820];
	v4 =	vunpack.i.l.s16.s32 v12;
	v1 =	vpack.i.b32.b16 v1, v5;
	v5 =	vpack.i.b32.b16 v0, v13;
	[tilespmem:s31+$0xFFFFFF60] =	vst v2  }
0x66: {  	v12 =	vunpack.i.u.s16.s32 v12;
	v2 =	vld [tilespmem:s0+$0x20];
	v13 =	vunpack.i.u.s16.s32 v11;
	v11 =	vunpack.i.l.s16.s32 v11;
	[tilespmem:s31+$0xFFFFFF00] =	vst v1  }
0x67: {  	s31 =	sadd.s32 $0x200, s31;
	v0 =	vunpack.i.u.s16.s32 v9;
	v1 =	vunpack.i.l.s16.s32 v9;
	v9 =	vld [tilespmem:s0+$0xFFFFF830];
	v12 =	vpack.i.b32.b16 v13, v12;
	[tilespmem:s30+$0x0] =	vst v5  }
0x68: {  	v6 =	vpack.i.b32.b16 v8, v6;
	v5 =	vunpack.i.u.s16.s32 v7;
	v7 =	vunpack.i.l.s16.s32 v7;
	v13 =	vld [tilespmem:s0+$0x30];
	[tilespmem:s31+$0x70] =	vst v12  }
0x69: {  	v4 =	vpack.i.b32.b16 v11, v4;
	v8 =	vunpack.i.u.s16.s32 v10;
	v10 =	vunpack.i.l.s16.s32 v10;
	v12 =	vld [tilespmem:s0+$0xFFFFF840];
	[tilespmem:s30+$0x60] =	vst v6;
	s30 =	smov.u32 s31  }
0x6a: {  	v6 =	vpack.i.b32.b16 v10, v7;
	v7 =	vunpack.i.u.s16.s32 v3;
	v3 =	vunpack.i.l.s16.s32 v3;
	v11 =	vld [tilespmem:s0+$0x40];
	[tilespmem:s31+$0xFFFFFF70] =	vst v4  }
.Ltmp3:
0x6b: {  	v5 =	vpack.i.b32.b16 v8, v5;
	[tilespmem:s31+$0xFFFFFF10] =	vst v6;
	v8 =	vunpack.i.u.s16.s32 v2;
	v2 =	vunpack.i.l.s16.s32 v2;
	v4 =	vld [tilespmem:s0+$0xFFFFF850];
	(pc) =	sbr.rel @p2 .LBB1_5-.Ltmp3, $4  }
0x6c: {  	[tilespmem:s31+$0x10] =	vst v5;
	v2 =	vpack.i.b32.b16 v2, v3;
	v10 =	vunpack.i.u.s16.s32 v9;
	v3 =	vunpack.i.l.s16.s32 v9;
	v6 =	vld [tilespmem:s0+$0x50]  }
0x6d: {  	v5 =	vpack.i.b32.b16 v8, v7;
	[tilespmem:s31+$0xFFFFFF20] =	vst v2;
	v9 =	vunpack.i.u.s16.s32 v13;
	v7 =	vunpack.i.l.s16.s32 v13;
	v2 =	vld [tilespmem:s0+$0xFFFFF860]  }
0x6e: {  	[tilespmem:s31+$0x20] =	vst v5;
	v13 =	vpack.i.b32.b16 v7, v3;
	v7 =	vunpack.i.u.s16.s32 v12;
	v8 =	vunpack.i.l.s16.s32 v12;
	v3 =	vld [tilespmem:s0+$0x60]  }
0x6f: {  	v10 =	vpack.i.b32.b16 v9, v10;
	v5 =	vld [tilespmem:s0+$0xFFFFF800];
	[tilespmem:s31+$0xFFFFFF30] =	vst v13;
	v9 =	vunpack.i.u.s16.s32 v11;
	v11 =	vunpack.i.l.s16.s32 v11;
	s0 =	sadd.s32 $0x80, s0  }
0x70: {  	[tilespmem:s31+$0x30] =	vst v10;
	v8 =	vpack.i.b32.b16 v11, v8  }
0x71: {  	v51 =	vunpack.i.l.s16.s32 v4;
	v7 =	vpack.i.b32.b16 v9, v7;
	[tilespmem:s31+$0xFFFFFF40] =	vst v8;
	v52 =	vunpack.i.l.s16.s32 v6  }
0x72: {  	v53 =	vunpack.i.u.s16.s32 v4;
	s29 =	sadd.s32 $0x1, s29;
	v54 =	vunpack.i.u.s16.s32 v6;
	[tilespmem:s31+$0x40] =	vst v7;
	v55 =	vpack.i.b32.b16 v52, v51  }
0x73: {  	p2 =	sne.s32 s29, $0x4;
	v56 =	vunpack.i.l.s16.s32 v2;
	v4 =	vpack.i.b32.b16 v54, v53;
	[tilespmem:s31+$0xFFFFFF50] =	vst v55;
	v57 =	vunpack.i.l.s16.s32 v3  }
.Ltmp4:
0x74: {  	[tilespmem:s31+$0x50] =	vst v4;
	v58 =	vunpack.i.l.s16.s32 v5;
	v59 =	vpack.i.b32.b16 v57, v56;
	(pc) =	sbr.rel @p2 .LBB1_4-.Ltmp4, $4  }
0x75: {  	v61 =	vunpack.i.u.s16.s32 v2;
	v62 =	vunpack.i.u.s16.s32 v3;
	v1 =	vpack.i.b32.b16 v1, v58;
	[tilespmem:s31+$0xFFFFFF60] =	vst v59  }
0x76: {  	v60 =	vunpack.i.u.s16.s32 v5;
	v63 =	vpack.i.b32.b16 v62, v61;
	[tilespmem:s31+$0xFFFFFF00] =	vst v1  }
0x77: {  	v0 =	vpack.i.b32.b16 v0, v60;
	[tilespmem:s30+$0x60] =	vst v63  }
0x78: {  	s27 =	sadd.s32 $0x200, s27;
	s28 =	sadd.s32 $0x800, s28;
	[tilespmem:s30+$0x0] =	vst v0  }
.Ltmp5:
0x79: {  	(pc) =	sbr.rel @p1 .LBB1_3-.Ltmp5, $2  }
0x7a: {  	_ =	sdelay $0x2  }
0x7b: {  	s0 =	simm.s32 $0x2;
	p2 =	por $0x0, $0x0  }
0x7c: {  	s0 =	sshrl.u32 s21, $0x2  }
0x7d: {  	s0 =	smul.u32 $0x600, s0  }
0x7e: {  	s2 =	sshll.u32 s22, $0x2;
	s28 =	sshll.u32 s21, $0x7  }
0x7f: {  	s29 =	sand.u32 $0x100, s28;
	s0 =	sadd.s32 s0, s2  }
0x80: {  	s30 =	sand.u32 $0x1, s21;
	s0 =	sor.u32 s29, s0  }
0x81: {  	s20 =	smul.u32 $0x63000, s20;
	s2 =	sor.u32 s30, s0  }
0x82: {  	s21 =	smulhi.u32 $0xAAAAAAAB, s2  }
0x83: {  	s0 =	smulhi.u32 $0xAAAAAAAB, s0  }
0x84: {  	s18 =	smul.u32 $0x1800, s18;
	s21 =	sshrl.u32 s21, $0x8  }
0x85: {  	s0 =	sshrl.u32 s0, $0x8;
	s21 =	smul.u32 $0x180, s21  }
0x86: {  	s19 =	smul.u32 $0x60, s19;
	s31 =	sadd.s32 s20, s18;
	s0 =	sand.u32 $0x3, s0  }
0x87: {  	s25 =	sadd.s32 s3, s31;
	s0 =	smul.u32 $0x18, s0;
	s2 =	ssub.s32 s2, s21  }
0x88: {  	s21 =	sadd.s32 s19, s25;
	s26 =	sshrl.u32 s2, $0x4;
	s2 =	sshll.u32 s2, $0x11  }
0x89: {  	s21 =	sadd.s32 s26, s21;
	s2 =	sand.u32 $0x180000, s2  }
0x8a: {  	s27 =	sadd.s32 s20, s9;
	s21 =	sadd.s32 s0, s21;
	s2 =	sor.u32 $0x100, s2  }
0x8b: {  	[hbm4b:s21+s2] =	stream.strided.scatter [tilespmem:s24], [sflag:$0x2], $0x800, s13, s2, $0x38;
	[tilespmem:$0x8000] =	vst v63  }
0x8c: {  	s21 =	sadd.s32 s18, s27  }
0x8d: {  	s21 =	sadd.s32 s19, s21  }
0x8e: {  	s21 =	sadd.s32 s26, s21  }
0x8f: {  	s28 =	sadd.s32 $0x4800, s23;
	s29 =	sadd.s32 s20, s10;
	s21 =	sadd.s32 s0, s21  }
0x90: {  	[hbm4b:s21+s2] =	stream.strided.scatter [tilespmem:s28], [sflag:$0x2], $0x800, s13, s2, $0x38;
	[tilespmem:$0x8000] =	vst v63  }
0x91: {  	s20 =	sadd.s32 s20, s11;
	s21 =	sadd.s32 s18, s29  }
0x92: {  	s18 =	sadd.s32 s18, s20;
	s21 =	sadd.s32 s19, s21  }
.Ltmp6:
0x93: {  	s18 =	sadd.s32 s19, s18;
	s21 =	sadd.s32 s26, s21;
	(pc) =	sbr.rel .LBB1_9-.Ltmp6, $4  }
0x94: {  	s30 =	sadd.s32 $0x5000, s23;
	s18 =	sadd.s32 s26, s18;
	s21 =	sadd.s32 s0, s21  }
0x95: {  	[hbm4b:s21+s2] =	stream.strided.scatter [tilespmem:s30], [sflag:$0x2], $0x800, s13, s2, $0x38;
	[tilespmem:$0x8000] =	vst v63  }
0x96: {  	s31 =	sadd.s32 $0x5800, s23;
	s0 =	sadd.s32 s0, s18  }
0x97: {  	[hbm4b:s0+s2] =	stream.strided.scatter [tilespmem:s31], [sflag:$0x2], $0x800, s13, s2, $0x38;
	[tilespmem:$0x8000] =	vst v63  }
.LBB1_10:
0x98: {  	_ =	sfence.sel $0x180000  }
0x99: {  	s0 =	simm.s32 $0x1;
	[bflag:$0x0] =	sbarrier.arrive $0xFFFF  }
0x9a: {  	s30 =	simm.s32 $0x2;
	[sflag:s0] =	ssyncpa.u1 $0x1  }
0x9b: {  	[sflag:s30] =	ssyncpa.u1 $0x1  }
0x9c: {  	_ =	strace $0x90000047  }
0x9d: {  	s31 =	stileid.u32;
	[bflag:$0x2] =	sbarrier.arrive $0xFFFF  }
0x9e: {  	p0 =	sne.s32 s31, $0x0;
	s0 =	rddreg [dreg:$0x1]  }
0x9f: {  	s0 =	sadd.s32 @!p0 $0x100000, s0  }
0xa0: {  	[sflag:s0] =	ssyncadd.tile.s32 @!p0 $0x1;
	_ =	shalt  }
.Lfunc_end1:
_tile_overlayer_lowered:
.L_overlay_start_2:
0xa1: {  	(tag) =	ssettag $0x2  }
0xa2: {  	s0 =	rddreg [dreg:$0x0];
	s2 =	stileid.u32  }
0xa3: {  	s1 =	rddreg [dreg:$0x1];
	p0 =	sne.s32 s2, $0x0  }
0xa4: {  	s3 =	rddreg [dreg:$0x2];
	[bflag:$0x3] =	sbarrier.arrive $0xFFFF;
	s2 =	simm.s32 @!p0 $0x1C01  }
0xa5: {  	[timem:s3], [sflag:s2] =	dma.local @!p0 [hbm:s0], s1  }
0xa6: {  	s0 =	simm.s32 @!p0 $0x1  }
0xa7: {  	_ =	swait.ge @!p0 [sflag:s0], s1  }
0xa8: {  	s1 =	ssub.s32 @!p0 $0x0, s1;
	[sflag:s0] =	ssyncset.done @!p0 $0x0  }
0xa9: {  	[sflag:s0] =	ssyncadd.s32 @!p0 s1  }
0xaa: {  	[bflag:$0x3] =	sbarrier.arrive $0xFFFF  }
0xab: {  	_ =	shalt  }

</sc_bundles>
